<compile_context>
chip_gen: v7x
topology: tpu7x:2x2x1
jax: 0.10.2.dev20260603
libtpu: 0.0.44.dev20260713+nightly
codegen_flags: <defaults>
</compile_context>

<pallas_src>
import functools

import jax
import jax.numpy as jnp
import numpy as np
from jax import lax
from jax.experimental import pallas as pl
from jax.experimental.pallas import tpu as pltpu
from jax.experimental.pallas import tpu_sc as plsc

N, E, M = 10000, 5000, 320000
DIM_IN = 128; DIM_QK = 128; N_HEADS = 8; INNER = 128; PE_DIM = 128; MAX_K = 10; HID = 128

BR = 512
RTOT = 15000
RPAD = 16384
NBLK = RPAD // BR
VC = 144

NW = 32
CE = 64
NCH = 158
EPT = NCH * CE
NREAL = M // CE
DUM = 10000
ATT = 10240
ROWS_PER_TILE = ATT // 16


def _sin_pe(max_len, dim):
    position = np.arange(max_len).astype(np.float64)[:, None]
    div_term = np.exp(np.arange(0, dim, 2).astype(np.float64) * (-np.log(10000.0) / dim))
    pe = np.zeros((max_len, dim), dtype=np.float32)
    pe[:, 0::2] = np.sin(position * div_term)
    pe[:, 1::2] = np.cos(position * div_term)
    return pe



def _ka_body(x_ref, ord_ref, peq_ref, qW0_ref, qb0_ref, qW1_ref, qb1_ref,
             n1g_ref, n1b_ref, pe1_ref, w0a_ref, w0b_ref, b0_ref, w1_ref,
             b1_ref, kW0_ref, kW1_ref, kb0_ref, kb1_ref, vW_ref, vb_ref,
             Sp_ref, SpT_ref, vext_ref, num_ref, den_ref):
    f32 = jnp.float32
    x = x_ref[...]
    qh = jnp.maximum(peq_ref[...] @ qW0_ref[...] + qb0_ref[...], 0.0)
    qf = qh @ qW1_ref[...] + qb1_ref[...]
    q0f = qf[0:1, :]
    q1f = qf[1:2, :]
    mu = jnp.mean(x, axis=1, keepdims=True)
    xc = x - mu
    var = jnp.mean(xc * xc, axis=1, keepdims=True)
    ln = xc * lax.rsqrt(var + 1e-5) * n1g_ref[...] + n1b_ref[...]
    orders = ord_ref[0, 0, :]
    oh = (orders[:, None] == lax.broadcasted_iota(jnp.int32, (BR, 16), 1)).astype(f32)
    pe_rows = oh @ pe1_ref[...]
    h1 = jnp.maximum(ln @ w0a_ref[...] + pe_rows @ w0b_ref[...] + b0_ref[...], 0.0)
    y = x + h1 @ w1_ref[...] + b1_ref[...]
    k0 = y @ kW0_ref[...] + kb0_ref[...]
    k1 = y @ kW1_ref[...] + kb1_ref[...]
    v = y @ vW_ref[...] + vb_ref[...]
    a8 = (k1 * q1f) @ Sp_ref[...]
    ea = jnp.exp(jnp.where(a8 >= 0, a8, 0.2 * a8))
    l0 = ((k0 * q0f) @ Sp_ref[...]) * 0.25
    w0 = jnp.exp(l0)
    gid = pl.program_id(0)
    rowid = gid * BR + lax.broadcasted_iota(jnp.int32, (BR, 1), 0)
    w0 = jnp.where(rowid < RTOT, w0, 0.0)
    wrep = w0 @ SpT_ref[...]
    num_ref[...] = jnp.sum(wrep * v, axis=0, keepdims=True)[None]
    den_ref[...] = jnp.sum(wrep, axis=0, keepdims=True)[None]
    earep = ea @ SpT_ref[...]
    vext_ref[...] = jnp.concatenate([v * earep, ea[:, 0:8], jnp.zeros((BR, 8), f32)], axis=1)


def _dense_pre(X, orders3, peq, qW0, qb0, qW1, qb1, n1g, n1b, pe1p,
               w0a, w0b, b0, w1, b1, kW0, kW1, kb0, kb1, vW, vb, Sp, SpT):
    full = lambda shape: pl.BlockSpec(shape, lambda g: (0,) * len(shape))
    return pl.pallas_call(
        _ka_body,
        grid=(NBLK,),
        in_specs=[
            pl.BlockSpec((BR, 128), lambda g: (g, 0)),
            pl.BlockSpec((1, 1, BR), lambda g: (g, 0, 0)),
            full((2, 128)), full((128, 128)), full((1, 128)), full((128, 128)), full((1, 128)),
            full((1, 128)), full((1, 128)), full((16, 128)),
            full((128, 128)), full((128, 128)), full((1, 128)), full((128, 128)), full((1, 128)),
            full((128, 128)), full((128, 128)), full((1, 128)), full((1, 128)),
            full((128, 128)), full((1, 128)),
            full((128, 128)), full((128, 128)),
        ],
        out_specs=[
            pl.BlockSpec((BR, VC), lambda g: (g, 0)),
            pl.BlockSpec((1, 1, 128), lambda g: (g, 0, 0)),
            pl.BlockSpec((1, 1, 128), lambda g: (g, 0, 0)),
        ],
        out_shape=[
            jax.ShapeDtypeStruct((RPAD, VC), jnp.float32),
            jax.ShapeDtypeStruct((NBLK, 1, 128), jnp.float32),
            jax.ShapeDtypeStruct((NBLK, 1, 128), jnp.float32),
        ],
    )(X, orders3, peq, qW0, qb0, qW1, qb1, n1g, n1b, pe1p,
      w0a, w0b, b0, w1, b1, kW0, kW1, kb0, kb1, vW, vb, Sp, SpT)



def _sc_body(vext_hbm, idxp_hbm, out_hbm,
             ibuf, vbuf, isem, gsem, ssem, att1_sh):
    cid = lax.axis_index("c")
    sid = lax.axis_index("s")
    w = cid * 16 + sid
    stripe = pl.ds(sid * ROWS_PER_TILE, ROWS_PER_TILE)

    @plsc.parallel_loop(0, CE, 1, unroll=4)
    def _(e):
        for g in range(9):
            vbuf[0, e, pl.ds(g * 16, 16)] = jnp.zeros((16,), jnp.float32)

    for t in range(ROWS_PER_TILE // CE):
        pltpu.sync_copy(vbuf.at[0], att1_sh.at[pl.ds(sid * ROWS_PER_TILE + t * CE, CE)])
    plsc.subcore_barrier()

    def istart(j):
        pltpu.async_copy(idxp_hbm.at[w, j], ibuf.at[lax.rem(j, 4)], isem.at[lax.rem(j, 4)])

    def iwait(j):
        pltpu.make_async_copy(idxp_hbm.at[w, j], ibuf.at[lax.rem(j, 4)], isem.at[lax.rem(j, 4)]).wait()

    def gstart(j):
        b = lax.rem(j, 3)
        pltpu.async_copy(vext_hbm.at[ibuf.at[lax.rem(j, 4), 0]], vbuf.at[b], gsem.at[b])

    def gwait(j):
        b = lax.rem(j, 3)
        pltpu.make_async_copy(vext_hbm.at[ibuf.at[lax.rem(j, 4), 0]], vbuf.at[b], gsem.at[b]).wait()

    def sstart(j):
        b = lax.rem(j, 3)
        pltpu.async_copy(vbuf.at[b], att1_sh.at[ibuf.at[lax.rem(j, 4), 1]], ssem.at[b], add=True)

    def swait(j):
        b = lax.rem(j, 3)
        pltpu.make_async_copy(vbuf.at[b], att1_sh.at[ibuf.at[lax.rem(j, 4), 1]], ssem.at[b]).wait()

    istart(0)
    istart(1)
    iwait(0)
    gstart(0)

    def chunk_body(j, carry):
        @pl.when(j + 1 < NCH)
        def _():
            iwait(j + 1)

        @pl.when(jnp.logical_and(j + 1 < NCH, j >= 2))
        def _():
            swait(j - 2)

        @pl.when(j + 1 < NCH)
        def _():
            gstart(j + 1)

        @pl.when(j + 2 < NCH)
        def _():
            istart(j + 2)

        gwait(j)
        sstart(j)
        return carry

    lax.fori_loop(0, NCH, chunk_body, 0)
    swait(NCH - 3)
    swait(NCH - 2)
    swait(NCH - 1)
    plsc.subcore_barrier()
    pltpu.sync_copy(att1_sh.at[stripe], out_hbm.at[cid, stripe])


def _sc_edges(vext, idxp):
    mesh = plsc.VectorSubcoreMesh(core_axis_name="c", subcore_axis_name="s")
    return pl.kernel(
        _sc_body,
        out_type=jax.ShapeDtypeStruct((2, ATT, VC), jnp.float32),
        mesh=mesh,
        compiler_params=pltpu.CompilerParams(use_tc_tiling_on_sc=False),
        scratch_types=[
            pltpu.VMEM((4, 2, CE), jnp.int32),
            pltpu.VMEM((3, CE, VC), jnp.float32),
            pltpu.SemaphoreType.DMA((4,)),
            pltpu.SemaphoreType.DMA((3,)),
            pltpu.SemaphoreType.DMA((3,)),
            pltpu.VMEM_SHARED((ATT, VC), jnp.float32),
        ],
    )(vext, idxp)



def _kc_body(p0_ref, p1_ref, num_ref, den0_ref, G_ref, n2g_ref, n2b_ref,
             pe2_ref, w2a_ref, w2b_ref, b2_ref, w21_ref, b21_ref,
             n3g_ref, n3b_ref, w3_ref, b3_ref, w31_ref, b31_ref,
             bias_ref, out_ref):
    acc = p0_ref[...] + p1_ref[...]
    denrep = acc @ G_ref[...]
    att1 = acc[:, 0:128] / (denrep + 1e-16)
    nsum = jnp.sum(num_ref[...], axis=0, keepdims=True)
    dsum = jnp.sum(den0_ref[...], axis=0, keepdims=True)
    att0 = nsum / dsum

    def ln_f(t, g, b):
        mu = jnp.mean(t, axis=1, keepdims=True)
        tc = t - mu
        var = jnp.mean(tc * tc, axis=1, keepdims=True)
        return tc * lax.rsqrt(var + 1e-5) * g + b

    pe2 = pe2_ref[...]
    a0ln = ln_f(att0, n2g_ref[...], n2b_ref[...])
    att0 = att0 + (jnp.maximum(a0ln @ w2a_ref[...] + pe2[0:1] @ w2b_ref[...] + b2_ref[...], 0.0)
                   @ w21_ref[...] + b21_ref[...])
    a1ln = ln_f(att1, n2g_ref[...], n2b_ref[...])
    att1 = att1 + (jnp.maximum(a1ln @ w2a_ref[...] + pe2[1:2] @ w2b_ref[...] + b2_ref[...], 0.0)
                   @ w21_ref[...] + b21_ref[...])
    xx = att0 + att1
    x3 = ln_f(xx, n3g_ref[...], n3b_ref[...])
    out_ref[...] = xx + (jnp.maximum(x3 @ w3_ref[...] + b3_ref[...], 0.0)
                         @ w31_ref[...] + b31_ref[...]) + bias_ref[...]


def _dense_post(p0, p1, num_p, den0_p, G, n2g, n2b, pe2, w2a, w2b, b2,
                w21, b21, n3g, n3b, w3, b3, w31, b31, bias2):
    full = lambda shape: pl.BlockSpec(shape, lambda g: (0,) * len(shape))
    return pl.pallas_call(
        _kc_body,
        grid=(ATT // BR,),
        in_specs=[
            pl.BlockSpec((BR, VC), lambda g: (g, 0)),
            pl.BlockSpec((BR, VC), lambda g: (g, 0)),
            full((NBLK, 128)), full((NBLK, 128)), full((VC, 128)),
            full((1, 128)), full((1, 128)), full((2, 128)),
            full((128, 128)), full((128, 128)), full((1, 128)),
            full((128, 128)), full((1, 128)),
            full((1, 128)), full((1, 128)),
            full((128, 128)), full((1, 128)), full((128, 128)), full((1, 128)),
            full((1, 128)),
        ],
        out_specs=pl.BlockSpec((BR, 128), lambda g: (g, 0)),
        out_shape=jax.ShapeDtypeStruct((ATT, 128), jnp.float32),
    )(p0, p1, num_p, den0_p, G, n2g, n2b, pe2, w2a, w2b, b2,
      w21, b21, n3g, n3b, w3, b3, w31, b31, bias2)



_PE1P = _sin_pe(MAX_K + 1, DIM_IN)
_PE1P = np.concatenate([_PE1P, np.zeros((16 - (MAX_K + 1), DIM_IN), np.float32)], 0)
_PE2 = _sin_pe(2, INNER)
_PEQ = _sin_pe(2, PE_DIM)
_SP = np.zeros((128, 128), np.float32)
for _j in range(128):
    _SP[_j, _j // 16] = 1.0
_SPT = _SP.T.copy()
_G = np.zeros((VC, 128), np.float32)
for _h in range(8):
    _G[128 + _h, _h * 16:(_h + 1) * 16] = 1.0


def kernel(x_v, x_e, incidence, edge_orders, indices_with_nodes, qW0, qb0, qW1, qb1, kW, kb, vW, vb, m1W0, m1b0, m1W1, m1b1, m2W0, m2b0, m2W1, m2b1, m3W0, m3b0, m3W1, m3b1, n1g, n1b, n2g, n2b, n3g, n3b, bias):
    f32 = jnp.float32
    X = jnp.concatenate([x_e, x_v, jnp.zeros((RPAD - RTOT, DIM_IN), f32)], axis=0)
    orders3 = jnp.concatenate([
        edge_orders.astype(jnp.int32),
        jnp.ones((N,), jnp.int32),
        jnp.zeros((RPAD - RTOT,), jnp.int32),
    ]).reshape(NBLK, 1, BR)
    src = indices_with_nodes[0].astype(jnp.int32)
    dst = indices_with_nodes[1].astype(jnp.int32)
    pad_idx = jnp.full((NW * EPT - M,), DUM, jnp.int32)
    srcp = jnp.concatenate([src, pad_idx]).reshape(NW, NCH, 1, CE)
    dstp = jnp.concatenate([dst, pad_idx]).reshape(NW, NCH, 1, CE)
    idxp = jnp.concatenate([srcp, dstp], axis=2)

    r1 = lambda a: a.reshape(1, 128)
    vext, num_p, den0_p = _dense_pre(
        X, orders3, jnp.asarray(_PEQ), qW0, r1(qb0), qW1, r1(qb1),
        r1(n1g), r1(n1b), jnp.asarray(_PE1P),
        m1W0[:128], m1W0[128:], r1(m1b0), m1W1, r1(m1b1),
        kW[:, :128], kW[:, 128:], r1(kb[:128]), r1(kb[128:]),
        vW, r1(vb), jnp.asarray(_SP), jnp.asarray(_SPT))

    part = _sc_edges(vext, idxp)

    out = _dense_post(
        part[0], part[1],
        num_p.reshape(NBLK, 128), den0_p.reshape(NBLK, 128), jnp.asarray(_G),
        r1(n2g), r1(n2b), jnp.asarray(_PE2),
        m2W0[:128], m2W0[128:], r1(m2b0), m2W1, r1(m2b1),
        r1(n3g), r1(n3b), m3W0, r1(m3b0), m3W1, r1(m3b1), r1(bias))
    return out[:N]

# --- scband reference (transcript-rebuilt; emitter-appended) ---
"""Pipeline reference for scband-self-attn-e2-vopt-10290741641925 (READ-ONLY COPY).

The authoritative reference and input builder live on the scoring server;
editing this copy changes nothing except your own understanding.
"""

import jax, jax.numpy as jnp
import numpy as np

N, E, M = 10000, 5000, 320000
DIM_IN = 128; DIM_QK = 128; N_HEADS = 8; INNER = 128; PE_DIM = 128; MAX_K = 10; HID = 128
DQK_H = DIM_QK // N_HEADS
DV_H = INNER // N_HEADS

def sinusoidal_pe(max_len, dim):
    position = np.arange(max_len).astype(np.float64)[:, None]
    div_term = np.exp(np.arange(0, dim, 2).astype(np.float64) * (-np.log(10000.0) / dim))
    pe = np.zeros((max_len, dim), dtype=np.float32)
    pe[:, 0::2] = np.sin(position * div_term)
    pe[:, 1::2] = np.cos(position * div_term)
    return jnp.asarray(pe)

def mlp2l(x, W0, b0, W1, b1):
    h = jax.nn.relu(x @ W0 + b0)
    return h @ W1 + b1

def layer_norm(x, g, b):
    mu = jnp.mean(x, axis=-1, keepdims=True)
    var = jnp.var(x, axis=-1, keepdims=True)
    return (x - mu) / jnp.sqrt(var + 1e-5) * g + b

def _forward(x_v, x_e, qW0, qb0, qW1, qb1, kW, kb, vW, vb, m1W0, m1b0, m1W1, m1b1, m2W0, m2b0, m2W1, m2b1, m3W0, m3b0, m3W1, m3b1, n1g, n1b, n2g, n2b, n3g, n3b, bias, incidence, edge_orders, indices_with_nodes):
    n, e = incidence.shape
    pe1 = sinusoidal_pe(MAX_K + 1, DIM_IN)
    pe2 = sinusoidal_pe(2, INNER)
    peq = sinusoidal_pe(2, PE_DIM)
    pe1_k1 = pe1[1][None, :]
    pe1_k = pe1[edge_orders]
    xv = x_v + mlp2l(jnp.concatenate([layer_norm(x_v, n1g, n1b), jnp.broadcast_to(pe1_k1, x_v.shape)], axis=-1), m1W0, m1b0, m1W1, m1b1)
    xe = x_e + mlp2l(jnp.concatenate([layer_norm(x_e, n1g, n1b), pe1_k], axis=-1), m1W0, m1b0, m1W1, m1b1)
    q0 = mlp2l(peq[0][None, :], qW0, qb0, qW1, qb1).reshape(N_HEADS, DQK_H)
    q1 = mlp2l(peq[1][None, :], qW0, qb0, qW1, qb1).reshape(N_HEADS, DQK_H)
    k_v = xv @ kW + kb
    k_e = xe @ kW + kb
    k_v0 = k_v[:, :DIM_QK].reshape(-1, N_HEADS, DQK_H)
    k_v1 = k_v[:, DIM_QK:].reshape(-1, N_HEADS, DQK_H)
    k_e0 = k_e[:, :DIM_QK].reshape(-1, N_HEADS, DQK_H)
    k_e1 = k_e[:, DIM_QK:].reshape(-1, N_HEADS, DQK_H)
    k0 = jnp.concatenate([k_e0, k_v0], axis=0)
    v_v = (xv @ vW + vb).reshape(-1, N_HEADS, DV_H)
    v_e = (xe @ vW + vb).reshape(-1, N_HEADS, DV_H)
    v = jnp.concatenate([v_e, v_v], axis=0)
    logit0 = jnp.einsum('hd,ehd->eh', q0, k0) / np.sqrt(DQK_H).astype(np.float32)
    alpha0 = jax.nn.softmax(logit0, axis=0)
    att0 = jnp.einsum('eh,ehd->hd', alpha0, v).reshape(1, N_HEADS * DV_H)
    k1 = jnp.concatenate([k_e1, k_v1], axis=0)
    alpha_r = (k1 * q1[None, :, :]).sum(axis=-1)
    src = indices_with_nodes[0]
    dst = indices_with_nodes[1]
    a = jax.nn.leaky_relu(alpha_r[src], negative_slope=0.2)
    amax = jax.ops.segment_max(a, dst, num_segments=n)
    amax = jnp.where(jnp.isfinite(amax), amax, 0.0)
    ex = jnp.exp(a - amax[dst])
    den = jax.ops.segment_sum(ex, dst, num_segments=n)
    alpha = ex / (den[dst] + 1e-16)
    msg = v[src] * alpha[:, :, None]
    att1 = jax.ops.segment_sum(msg, dst, num_segments=n).reshape(n, N_HEADS * DV_H)
    att0 = att0 + mlp2l(jnp.concatenate([layer_norm(att0, n2g, n2b), jnp.broadcast_to(pe2[0][None, :], att0.shape)], axis=-1), m2W0, m2b0, m2W1, m2b1)
    att1 = att1 + mlp2l(jnp.concatenate([layer_norm(att1, n2g, n2b), jnp.broadcast_to(pe2[1][None, :], att1.shape)], axis=-1), m2W0, m2b0, m2W1, m2b1)
    x = att0 + att1
    x = x + mlp2l(layer_norm(x, n3g, n3b), m3W0, m3b0, m3W1, m3b1)
    x = x + bias
    return x

def setup_inputs(seed: int = 0):
    key = jax.random.key(seed)
    ks = jax.random.split(key, 24)
    def p(k, shape):
        return jax.random.normal(k, shape, dtype=jnp.float32) * 0.05
    inp = {}
    inp['x_v'] = jax.random.normal(ks[0], (N, DIM_IN), dtype=jnp.float32)
    inp['x_e'] = jax.random.normal(ks[1], (E, DIM_IN), dtype=jnp.float32)
    inp['incidence'] = jnp.zeros((N, E), dtype=jnp.bool_)
    inp['edge_orders'] = jax.random.randint(ks[2], (E,), 0, MAX_K + 1)
    inp['indices_with_nodes'] = jax.random.randint(ks[3], (2, M), 0, N)
    inp['qW0'] = p(ks[4], (PE_DIM, HID)); inp['qb0'] = jnp.zeros((HID,), jnp.float32)
    inp['qW1'] = p(ks[5], (HID, N_HEADS * DQK_H)); inp['qb1'] = jnp.zeros((N_HEADS * DQK_H,), jnp.float32)
    inp['kW'] = p(ks[6], (INNER, 2 * DIM_QK)); inp['kb'] = jnp.zeros((2 * DIM_QK,), jnp.float32)
    inp['vW'] = p(ks[7], (INNER, INNER)); inp['vb'] = jnp.zeros((INNER,), jnp.float32)
    inp['m1W0'] = p(ks[8], (2 * DIM_IN, HID)); inp['m1b0'] = jnp.zeros((HID,), jnp.float32)
    inp['m1W1'] = p(ks[9], (HID, INNER)); inp['m1b1'] = jnp.zeros((INNER,), jnp.float32)
    inp['m2W0'] = p(ks[10], (2 * INNER, HID)); inp['m2b0'] = jnp.zeros((HID,), jnp.float32)
    inp['m2W1'] = p(ks[11], (HID, INNER)); inp['m2b1'] = jnp.zeros((INNER,), jnp.float32)
    inp['m3W0'] = p(ks[12], (INNER, HID)); inp['m3b0'] = jnp.zeros((HID,), jnp.float32)
    inp['m3W1'] = p(ks[13], (HID, DIM_IN)); inp['m3b1'] = jnp.zeros((DIM_IN,), jnp.float32)
    inp['n1g'] = jnp.ones((INNER,), jnp.float32); inp['n1b'] = jnp.zeros((INNER,), jnp.float32)
    inp['n2g'] = jnp.ones((INNER,), jnp.float32); inp['n2b'] = jnp.zeros((INNER,), jnp.float32)
    inp['n3g'] = jnp.ones((INNER,), jnp.float32); inp['n3b'] = jnp.zeros((INNER,), jnp.float32)
    inp['bias'] = jnp.zeros((DIM_IN,), jnp.float32)
    return inp

def reference(x_v, x_e, incidence, edge_orders, indices_with_nodes, qW0, qb0, qW1, qb1, kW, kb, vW, vb, m1W0, m1b0, m1W1, m1b1, m2W0, m2b0, m2W1, m2b1, m3W0, m3b0, m3W1, m3b1, n1g, n1b, n2g, n2b, n3g, n3b, bias):
    return _forward(x_v, x_e, qW0, qb0, qW1, qb1, kW, kb, vW, vb, m1W0, m1b0, m1W1, m1b1, m2W0, m2b0, m2W1, m2b1, m3W0, m3b0, m3W1, m3b1, n1g, n1b, n2g, n2b, n3g, n3b, bias, incidence, edge_orders, indices_with_nodes)

if __name__ == "__main__":
    import jax
    _d = setup_inputs()
    print(jax.jit(kernel)(*tuple(_d.values())))

</pallas_src>

<mosaic_0001>
#map = affine_map<(d0, d1) -> (0, 0)>
#map1 = affine_map<(d0, d1) -> (0, 0, 0, 0)>
#map2 = affine_map<(d0, d1) -> (0, 0, 0)>
module attributes {stable_mosaic.version = 14 : i64} {
  func.func @_sc_body(%arg0: i32, %arg1: i32, %arg2: memref<16384x144xf32, #tpu.memory_space<hbm>>, %arg3: memref<32x158x2x64xi32, #tpu.memory_space<hbm>>, %arg4: memref<2x10240x144xf32, #tpu.memory_space<hbm>>, %arg5: memref<4x2x64xi32, #tpu.memory_space<vmem>>, %arg6: memref<3x64x144xf32, #tpu.memory_space<vmem>>, %arg7: memref<4x!tpu.dma_semaphore, #tpu.memory_space<semaphore_mem>>, %arg8: memref<3x!tpu.dma_semaphore, #tpu.memory_space<semaphore_mem>>, %arg9: memref<3x!tpu.dma_semaphore, #tpu.memory_space<semaphore_mem>>, %arg10: memref<10240x144xf32, #tpu.memory_space<vmem_shared>>) attributes {dimension_semantics = [#tpu.dimension_semantics<core_parallel>, #tpu.dimension_semantics<subcore_parallel>], iteration_bounds = array<i64: 2, 16>, scalar_prefetch = 0 : i64, scratch_operands = 6 : i64, tpu.core_type = #tpu.core_type<sc_vector_subcore>, window_params = [{transform_indices = #map}, {transform_indices = #map1}, {transform_indices = #map2}]} {
    %mul3A = arith.constant 16 : i32
    %mul3A_0 = arith.muli %arg0, %mul3A : i32
    %add3A = arith.addi %mul3A_0, %arg1 : i32
    %mul3A_1 = arith.constant 640 : i32
    %mul3A_2 = arith.muli %arg1, %mul3A_1 : i32
    %parallel_loop3A = arith.constant 0 : i32
    %parallel_loop3A_3 = arith.constant 64 : i32
    %parallel_loop3A_4 = arith.constant 1 : i32
    scf.for %parallel_loop3A_208 = %parallel_loop3A to %parallel_loop3A_3 step %parallel_loop3A_4  : i32 {
      %parallel_loop3A_209 = arith.constant 0.000000e+00 : f32
      %parallel_loop3A_210 = vector.broadcast %parallel_loop3A_209 : f32 to vector<16xf32>
      %parallel_loop3A_211 = arith.constant 0 : i32
      %parallel_loop3A_212 = arith.index_cast %parallel_loop3A_211 : i32 to index
      %parallel_loop3A_213 = arith.index_cast %parallel_loop3A_208 : i32 to index
      %parallel_loop3A_214 = arith.constant 0 : index
      %parallel_loop3A_215 = tpu.vector_load %arg6[%parallel_loop3A_212, %parallel_loop3A_213, %parallel_loop3A_214] {strides = array<i32>} : memref<3x64x144xf32, #tpu.memory_space<vmem>>, vector<1x1x16xf32>,
      %parallel_loop3A_216 = vector.shape_cast %parallel_loop3A_215 : vector<1x1x16xf32> to vector<16xf32>
      %parallel_loop3A_217 = vector.shape_cast %parallel_loop3A_210 : vector<16xf32> to vector<1x1x16xf32>
      tpu.vector_store %arg6[%parallel_loop3A_212, %parallel_loop3A_213, %parallel_loop3A_214], %parallel_loop3A_217 {strides = array<i32>} : memref<3x64x144xf32, #tpu.memory_space<vmem>>, vector<1x1x16xf32>,
      %parallel_loop3A_218 = arith.constant 0.000000e+00 : f32
      %parallel_loop3A_219 = vector.broadcast %parallel_loop3A_218 : f32 to vector<16xf32>
      %parallel_loop3A_220 = arith.constant 0 : i32
      %parallel_loop3A_221 = arith.index_cast %parallel_loop3A_220 : i32 to index
      %parallel_loop3A_222 = arith.index_cast %parallel_loop3A_208 : i32 to index
      %parallel_loop3A_223 = arith.constant 16 : index
      %parallel_loop3A_224 = tpu.vector_load %arg6[%parallel_loop3A_221, %parallel_loop3A_222, %parallel_loop3A_223] {strides = array<i32>} : memref<3x64x144xf32, #tpu.memory_space<vmem>>, vector<1x1x16xf32>,
      %parallel_loop3A_225 = vector.shape_cast %parallel_loop3A_224 : vector<1x1x16xf32> to vector<16xf32>
      %parallel_loop3A_226 = vector.shape_cast %parallel_loop3A_219 : vector<16xf32> to vector<1x1x16xf32>
      tpu.vector_store %arg6[%parallel_loop3A_221, %parallel_loop3A_222, %parallel_loop3A_223], %parallel_loop3A_226 {strides = array<i32>} : memref<3x64x144xf32, #tpu.memory_space<vmem>>, vector<1x1x16xf32>,
      %parallel_loop3A_227 = arith.constant 0.000000e+00 : f32
      %parallel_loop3A_228 = vector.broadcast %parallel_loop3A_227 : f32 to vector<16xf32>
      %parallel_loop3A_229 = arith.constant 0 : i32
      %parallel_loop3A_230 = arith.index_cast %parallel_loop3A_229 : i32 to index
      %parallel_loop3A_231 = arith.index_cast %parallel_loop3A_208 : i32 to index
      %parallel_loop3A_232 = arith.constant 32 : index
      %parallel_loop3A_233 = tpu.vector_load %arg6[%parallel_loop3A_230, %parallel_loop3A_231, %parallel_loop3A_232] {strides = array<i32>} : memref<3x64x144xf32, #tpu.memory_space<vmem>>, vector<1x1x16xf32>,
      %parallel_loop3A_234 = vector.shape_cast %parallel_loop3A_233 : vector<1x1x16xf32> to vector<16xf32>
      %parallel_loop3A_235 = vector.shape_cast %parallel_loop3A_228 : vector<16xf32> to vector<1x1x16xf32>
      tpu.vector_store %arg6[%parallel_loop3A_230, %parallel_loop3A_231, %parallel_loop3A_232], %parallel_loop3A_235 {strides = array<i32>} : memref<3x64x144xf32, #tpu.memory_space<vmem>>, vector<1x1x16xf32>,
      %parallel_loop3A_236 = arith.constant 0.000000e+00 : f32
      %parallel_loop3A_237 = vector.broadcast %parallel_loop3A_236 : f32 to vector<16xf32>
      %parallel_loop3A_238 = arith.constant 0 : i32
      %parallel_loop3A_239 = arith.index_cast %parallel_loop3A_238 : i32 to index
      %parallel_loop3A_240 = arith.index_cast %parallel_loop3A_208 : i32 to index
      %parallel_loop3A_241 = arith.constant 48 : index
      %parallel_loop3A_242 = tpu.vector_load %arg6[%parallel_loop3A_239, %parallel_loop3A_240, %parallel_loop3A_241] {strides = array<i32>} : memref<3x64x144xf32, #tpu.memory_space<vmem>>, vector<1x1x16xf32>,
      %parallel_loop3A_243 = vector.shape_cast %parallel_loop3A_242 : vector<1x1x16xf32> to vector<16xf32>
      %parallel_loop3A_244 = vector.shape_cast %parallel_loop3A_237 : vector<16xf32> to vector<1x1x16xf32>
      tpu.vector_store %arg6[%parallel_loop3A_239, %parallel_loop3A_240, %parallel_loop3A_241], %parallel_loop3A_244 {strides = array<i32>} : memref<3x64x144xf32, #tpu.memory_space<vmem>>, vector<1x1x16xf32>,
      %parallel_loop3A_245 = arith.constant 0.000000e+00 : f32
      %parallel_loop3A_246 = vector.broadcast %parallel_loop3A_245 : f32 to vector<16xf32>
      %parallel_loop3A_247 = arith.constant 0 : i32
      %parallel_loop3A_248 = arith.index_cast %parallel_loop3A_247 : i32 to index
      %parallel_loop3A_249 = arith.index_cast %parallel_loop3A_208 : i32 to index
      %parallel_loop3A_250 = arith.constant 64 : index
      %parallel_loop3A_251 = tpu.vector_load %arg6[%parallel_loop3A_248, %parallel_loop3A_249, %parallel_loop3A_250] {strides = array<i32>} : memref<3x64x144xf32, #tpu.memory_space<vmem>>, vector<1x1x16xf32>,
      %parallel_loop3A_252 = vector.shape_cast %parallel_loop3A_251 : vector<1x1x16xf32> to vector<16xf32>
      %parallel_loop3A_253 = vector.shape_cast %parallel_loop3A_246 : vector<16xf32> to vector<1x1x16xf32>
      tpu.vector_store %arg6[%parallel_loop3A_248, %parallel_loop3A_249, %parallel_loop3A_250], %parallel_loop3A_253 {strides = array<i32>} : memref<3x64x144xf32, #tpu.memory_space<vmem>>, vector<1x1x16xf32>,
      %parallel_loop3A_254 = arith.constant 0.000000e+00 : f32
      %parallel_loop3A_255 = vector.broadcast %parallel_loop3A_254 : f32 to vector<16xf32>
      %parallel_loop3A_256 = arith.constant 0 : i32
      %parallel_loop3A_257 = arith.index_cast %parallel_loop3A_256 : i32 to index
      %parallel_loop3A_258 = arith.index_cast %parallel_loop3A_208 : i32 to index
      %parallel_loop3A_259 = arith.constant 80 : index
      %parallel_loop3A_260 = tpu.vector_load %arg6[%parallel_loop3A_257, %parallel_loop3A_258, %parallel_loop3A_259] {strides = array<i32>} : memref<3x64x144xf32, #tpu.memory_space<vmem>>, vector<1x1x16xf32>,
      %parallel_loop3A_261 = vector.shape_cast %parallel_loop3A_260 : vector<1x1x16xf32> to vector<16xf32>
      %parallel_loop3A_262 = vector.shape_cast %parallel_loop3A_255 : vector<16xf32> to vector<1x1x16xf32>
      tpu.vector_store %arg6[%parallel_loop3A_257, %parallel_loop3A_258, %parallel_loop3A_259], %parallel_loop3A_262 {strides = array<i32>} : memref<3x64x144xf32, #tpu.memory_space<vmem>>, vector<1x1x16xf32>,
      %parallel_loop3A_263 = arith.constant 0.000000e+00 : f32
      %parallel_loop3A_264 = vector.broadcast %parallel_loop3A_263 : f32 to vector<16xf32>
      %parallel_loop3A_265 = arith.constant 0 : i32
      %parallel_loop3A_266 = arith.index_cast %parallel_loop3A_265 : i32 to index
      %parallel_loop3A_267 = arith.index_cast %parallel_loop3A_208 : i32 to index
      %parallel_loop3A_268 = arith.constant 96 : index
      %parallel_loop3A_269 = tpu.vector_load %arg6[%parallel_loop3A_266, %parallel_loop3A_267, %parallel_loop3A_268] {strides = array<i32>} : memref<3x64x144xf32, #tpu.memory_space<vmem>>, vector<1x1x16xf32>,
      %parallel_loop3A_270 = vector.shape_cast %parallel_loop3A_269 : vector<1x1x16xf32> to vector<16xf32>
      %parallel_loop3A_271 = vector.shape_cast %parallel_loop3A_264 : vector<16xf32> to vector<1x1x16xf32>
      tpu.vector_store %arg6[%parallel_loop3A_266, %parallel_loop3A_267, %parallel_loop3A_268], %parallel_loop3A_271 {strides = array<i32>} : memref<3x64x144xf32, #tpu.memory_space<vmem>>, vector<1x1x16xf32>,
      %parallel_loop3A_272 = arith.constant 0.000000e+00 : f32
      %parallel_loop3A_273 = vector.broadcast %parallel_loop3A_272 : f32 to vector<16xf32>
      %parallel_loop3A_274 = arith.constant 0 : i32
      %parallel_loop3A_275 = arith.index_cast %parallel_loop3A_274 : i32 to index
      %parallel_loop3A_276 = arith.index_cast %parallel_loop3A_208 : i32 to index
      %parallel_loop3A_277 = arith.constant 112 : index
      %parallel_loop3A_278 = tpu.vector_load %arg6[%parallel_loop3A_275, %parallel_loop3A_276, %parallel_loop3A_277] {strides = array<i32>} : memref<3x64x144xf32, #tpu.memory_space<vmem>>, vector<1x1x16xf32>,
      %parallel_loop3A_279 = vector.shape_cast %parallel_loop3A_278 : vector<1x1x16xf32> to vector<16xf32>
      %parallel_loop3A_280 = vector.shape_cast %parallel_loop3A_273 : vector<16xf32> to vector<1x1x16xf32>
      tpu.vector_store %arg6[%parallel_loop3A_275, %parallel_loop3A_276, %parallel_loop3A_277], %parallel_loop3A_280 {strides = array<i32>} : memref<3x64x144xf32, #tpu.memory_space<vmem>>, vector<1x1x16xf32>,
      %parallel_loop3A_281 = arith.constant 0.000000e+00 : f32
      %parallel_loop3A_282 = vector.broadcast %parallel_loop3A_281 : f32 to vector<16xf32>
      %parallel_loop3A_283 = arith.constant 0 : i32
      %parallel_loop3A_284 = arith.index_cast %parallel_loop3A_283 : i32 to index
      %parallel_loop3A_285 = arith.index_cast %parallel_loop3A_208 : i32 to index
      %parallel_loop3A_286 = arith.constant 128 : index
      %parallel_loop3A_287 = tpu.vector_load %arg6[%parallel_loop3A_284, %parallel_loop3A_285, %parallel_loop3A_286] {strides = array<i32>} : memref<3x64x144xf32, #tpu.memory_space<vmem>>, vector<1x1x16xf32>,
      %parallel_loop3A_288 = vector.shape_cast %parallel_loop3A_287 : vector<1x1x16xf32> to vector<16xf32>
      %parallel_loop3A_289 = vector.shape_cast %parallel_loop3A_282 : vector<16xf32> to vector<1x1x16xf32>
      tpu.vector_store %arg6[%parallel_loop3A_284, %parallel_loop3A_285, %parallel_loop3A_286], %parallel_loop3A_289 {strides = array<i32>} : memref<3x64x144xf32, #tpu.memory_space<vmem>>, vector<1x1x16xf32>,
    } {sc.loop_unroll_factor = 4 : i64, sc.parallel_access}
    %mul3A_5 = arith.constant 640 : i32
    %mul3A_6 = arith.muli %arg1, %mul3A_5 : i32
    %add3A_7 = arith.constant 0 : i32
    %add3A_8 = arith.addi %mul3A_6, %add3A_7 : i32
    %run_scoped3A = arith.constant 0 : i32
    "tpu.region"() ({
      %run_scoped3A_208 = tpu.sem_alloc : memref<!tpu.dma_semaphore, #tpu.memory_space<semaphore_mem>>
      %dma_start3A_209 = arith.constant 0 : i32
      %dma_start3A_210 = arith.constant 0 : i32
      %dma_start3A_211 = tpu.memref_slice %arg6[%run_scoped3A, %dma_start3A_209, %dma_start3A_210] : memref<3x64x144xf32, #tpu.memory_space<vmem>> -> memref<1x64x144xf32, #tpu.memory_space<vmem>>
      %dma_start3A_212 = tpu.memref_squeeze %dma_start3A_211 : memref<1x64x144xf32, #tpu.memory_space<vmem>> -> memref<64x144xf32, #tpu.memory_space<vmem>>
      %dma_start3A_213 = arith.constant 0 : i32
      %dma_start3A_214 = tpu.memref_slice %arg10[%add3A_8, %dma_start3A_213] : memref<10240x144xf32, #tpu.memory_space<vmem_shared>> -> memref<64x144xf32, #tpu.memory_space<vmem_shared>>
      %dma_start3A_215 = arith.constant 0 : i32
      %dma_start3A_216 = tpu.memref_slice %arg10[%add3A_8, %dma_start3A_215] : memref<10240x144xf32, #tpu.memory_space<vmem_shared>> -> memref<64x144xf32, #tpu.memory_space<vmem_shared>>
      %dma_start3A_217 = arith.constant 0 : i32
      %dma_start3A_218 = arith.constant 0 : i32
      %dma_start3A_219 = tpu.memref_slice %arg6[%run_scoped3A, %dma_start3A_217, %dma_start3A_218] : memref<3x64x144xf32, #tpu.memory_space<vmem>> -> memref<1x64x144xf32, #tpu.memory_space<vmem>>
      %dma_start3A_220 = tpu.memref_squeeze %dma_start3A_219 : memref<1x64x144xf32, #tpu.memory_space<vmem>> -> memref<64x144xf32, #tpu.memory_space<vmem>>
      tpu.enqueue_dma source(%dma_start3A_220 : memref<64x144xf32, #tpu.memory_space<vmem>>) target(%dma_start3A_216 : memref<64x144xf32, #tpu.memory_space<vmem_shared>>) target_semaphore(%run_scoped3A_208 : memref<!tpu.dma_semaphore, #tpu.memory_space<semaphore_mem>>)
      %dma_wait3A_221 = arith.constant 0 : i32
      %dma_wait3A_222 = arith.constant 0 : i32
      %dma_wait3A_223 = tpu.memref_slice %arg6[%run_scoped3A, %dma_wait3A_221, %dma_wait3A_222] : memref<3x64x144xf32, #tpu.memory_space<vmem>> -> memref<1x64x144xf32, #tpu.memory_space<vmem>>
      %dma_wait3A_224 = tpu.memref_squeeze %dma_wait3A_223 : memref<1x64x144xf32, #tpu.memory_space<vmem>> -> memref<64x144xf32, #tpu.memory_space<vmem>>
      %dma_wait3A_225 = arith.constant 0 : i32
      %dma_wait3A_226 = tpu.memref_slice %arg10[%add3A_8, %dma_wait3A_225] : memref<10240x144xf32, #tpu.memory_space<vmem_shared>> -> memref<64x144xf32, #tpu.memory_space<vmem_shared>>
      %dma_wait3A_227 = arith.constant 0 : i32
      %dma_wait3A_228 = tpu.memref_slice %arg10[%add3A_8, %dma_wait3A_227] : memref<10240x144xf32, #tpu.memory_space<vmem_shared>> -> memref<64x144xf32, #tpu.memory_space<vmem_shared>>
      %dma_wait3A_229 = arith.constant 0 : i32
      %dma_wait3A_230 = arith.constant 0 : i32
      %dma_wait3A_231 = tpu.memref_slice %arg6[%run_scoped3A, %dma_wait3A_229, %dma_wait3A_230] : memref<3x64x144xf32, #tpu.memory_space<vmem>> -> memref<1x64x144xf32, #tpu.memory_space<vmem>>
      %dma_wait3A_232 = tpu.memref_squeeze %dma_wait3A_231 : memref<1x64x144xf32, #tpu.memory_space<vmem>> -> memref<64x144xf32, #tpu.memory_space<vmem>>
      tpu.wait_dma2 semaphore(%run_scoped3A_208 : memref<!tpu.dma_semaphore, #tpu.memory_space<semaphore_mem>>) src(%dma_wait3A_232 : memref<64x144xf32, #tpu.memory_space<vmem>>) dst(%dma_wait3A_228 : memref<64x144xf32, #tpu.memory_space<vmem_shared>>)
      tpu.yield
    }) : () -> ()
    %mul3A_9 = arith.constant 640 : i32
    %mul3A_10 = arith.muli %arg1, %mul3A_9 : i32
    %add3A_11 = arith.constant 64 : i32
    %add3A_12 = arith.addi %mul3A_10, %add3A_11 : i32
    %run_scoped3A_13 = arith.constant 0 : i32
    "tpu.region"() ({
      %run_scoped3A_208 = tpu.sem_alloc : memref<!tpu.dma_semaphore, #tpu.memory_space<semaphore_mem>>
      %dma_start3A_209 = arith.constant 0 : i32
      %dma_start3A_210 = arith.constant 0 : i32
      %dma_start3A_211 = tpu.memref_slice %arg6[%run_scoped3A_13, %dma_start3A_209, %dma_start3A_210] : memref<3x64x144xf32, #tpu.memory_space<vmem>> -> memref<1x64x144xf32, #tpu.memory_space<vmem>>
      %dma_start3A_212 = tpu.memref_squeeze %dma_start3A_211 : memref<1x64x144xf32, #tpu.memory_space<vmem>> -> memref<64x144xf32, #tpu.memory_space<vmem>>
      %dma_start3A_213 = arith.constant 0 : i32
      %dma_start3A_214 = tpu.memref_slice %arg10[%add3A_12, %dma_start3A_213] : memref<10240x144xf32, #tpu.memory_space<vmem_shared>> -> memref<64x144xf32, #tpu.memory_space<vmem_shared>>
      %dma_start3A_215 = arith.constant 0 : i32
      %dma_start3A_216 = tpu.memref_slice %arg10[%add3A_12, %dma_start3A_215] : memref<10240x144xf32, #tpu.memory_space<vmem_shared>> -> memref<64x144xf32, #tpu.memory_space<vmem_shared>>
      %dma_start3A_217 = arith.constant 0 : i32
      %dma_start3A_218 = arith.constant 0 : i32
      %dma_start3A_219 = tpu.memref_slice %arg6[%run_scoped3A_13, %dma_start3A_217, %dma_start3A_218] : memref<3x64x144xf32, #tpu.memory_space<vmem>> -> memref<1x64x144xf32, #tpu.memory_space<vmem>>
      %dma_start3A_220 = tpu.memref_squeeze %dma_start3A_219 : memref<1x64x144xf32, #tpu.memory_space<vmem>> -> memref<64x144xf32, #tpu.memory_space<vmem>>
      tpu.enqueue_dma source(%dma_start3A_220 : memref<64x144xf32, #tpu.memory_space<vmem>>) target(%dma_start3A_216 : memref<64x144xf32, #tpu.memory_space<vmem_shared>>) target_semaphore(%run_scoped3A_208 : memref<!tpu.dma_semaphore, #tpu.memory_space<semaphore_mem>>)
      %dma_wait3A_221 = arith.constant 0 : i32
      %dma_wait3A_222 = arith.constant 0 : i32
      %dma_wait3A_223 = tpu.memref_slice %arg6[%run_scoped3A_13, %dma_wait3A_221, %dma_wait3A_222] : memref<3x64x144xf32, #tpu.memory_space<vmem>> -> memref<1x64x144xf32, #tpu.memory_space<vmem>>
      %dma_wait3A_224 = tpu.memref_squeeze %dma_wait3A_223 : memref<1x64x144xf32, #tpu.memory_space<vmem>> -> memref<64x144xf32, #tpu.memory_space<vmem>>
      %dma_wait3A_225 = arith.constant 0 : i32
      %dma_wait3A_226 = tpu.memref_slice %arg10[%add3A_12, %dma_wait3A_225] : memref<10240x144xf32, #tpu.memory_space<vmem_shared>> -> memref<64x144xf32, #tpu.memory_space<vmem_shared>>
      %dma_wait3A_227 = arith.constant 0 : i32
      %dma_wait3A_228 = tpu.memref_slice %arg10[%add3A_12, %dma_wait3A_227] : memref<10240x144xf32, #tpu.memory_space<vmem_shared>> -> memref<64x144xf32, #tpu.memory_space<vmem_shared>>
      %dma_wait3A_229 = arith.constant 0 : i32
      %dma_wait3A_230 = arith.constant 0 : i32
      %dma_wait3A_231 = tpu.memref_slice %arg6[%run_scoped3A_13, %dma_wait3A_229, %dma_wait3A_230] : memref<3x64x144xf32, #tpu.memory_space<vmem>> -> memref<1x64x144xf32, #tpu.memory_space<vmem>>
      %dma_wait3A_232 = tpu.memref_squeeze %dma_wait3A_231 : memref<1x64x144xf32, #tpu.memory_space<vmem>> -> memref<64x144xf32, #tpu.memory_space<vmem>>
      tpu.wait_dma2 semaphore(%run_scoped3A_208 : memref<!tpu.dma_semaphore, #tpu.memory_space<semaphore_mem>>) src(%dma_wait3A_232 : memref<64x144xf32, #tpu.memory_space<vmem>>) dst(%dma_wait3A_228 : memref<64x144xf32, #tpu.memory_space<vmem_shared>>)
      tpu.yield
    }) : () -> ()
    %mul3A_14 = arith.constant 640 : i32
    %mul3A_15 = arith.muli %arg1, %mul3A_14 : i32
    %add3A_16 = arith.constant 128 : i32
    %add3A_17 = arith.addi %mul3A_15, %add3A_16 : i32
    %run_scoped3A_18 = arith.constant 0 : i32
    "tpu.region"() ({
      %run_scoped3A_208 = tpu.sem_alloc : memref<!tpu.dma_semaphore, #tpu.memory_space<semaphore_mem>>
      %dma_start3A_209 = arith.constant 0 : i32
      %dma_start3A_210 = arith.constant 0 : i32
      %dma_start3A_211 = tpu.memref_slice %arg6[%run_scoped3A_18, %dma_start3A_209, %dma_start3A_210] : memref<3x64x144xf32, #tpu.memory_space<vmem>> -> memref<1x64x144xf32, #tpu.memory_space<vmem>>
      %dma_start3A_212 = tpu.memref_squeeze %dma_start3A_211 : memref<1x64x144xf32, #tpu.memory_space<vmem>> -> memref<64x144xf32, #tpu.memory_space<vmem>>
      %dma_start3A_213 = arith.constant 0 : i32
      %dma_start3A_214 = tpu.memref_slice %arg10[%add3A_17, %dma_start3A_213] : memref<10240x144xf32, #tpu.memory_space<vmem_shared>> -> memref<64x144xf32, #tpu.memory_space<vmem_shared>>
      %dma_start3A_215 = arith.constant 0 : i32
      %dma_start3A_216 = tpu.memref_slice %arg10[%add3A_17, %dma_start3A_215] : memref<10240x144xf32, #tpu.memory_space<vmem_shared>> -> memref<64x144xf32, #tpu.memory_space<vmem_shared>>
      %dma_start3A_217 = arith.constant 0 : i32
      %dma_start3A_218 = arith.constant 0 : i32
      %dma_start3A_219 = tpu.memref_slice %arg6[%run_scoped3A_18, %dma_start3A_217, %dma_start3A_218] : memref<3x64x144xf32, #tpu.memory_space<vmem>> -> memref<1x64x144xf32, #tpu.memory_space<vmem>>
      %dma_start3A_220 = tpu.memref_squeeze %dma_start3A_219 : memref<1x64x144xf32, #tpu.memory_space<vmem>> -> memref<64x144xf32, #tpu.memory_space<vmem>>
      tpu.enqueue_dma source(%dma_start3A_220 : memref<64x144xf32, #tpu.memory_space<vmem>>) target(%dma_start3A_216 : memref<64x144xf32, #tpu.memory_space<vmem_shared>>) target_semaphore(%run_scoped3A_208 : memref<!tpu.dma_semaphore, #tpu.memory_space<semaphore_mem>>)
      %dma_wait3A_221 = arith.constant 0 : i32
      %dma_wait3A_222 = arith.constant 0 : i32
      %dma_wait3A_223 = tpu.memref_slice %arg6[%run_scoped3A_18, %dma_wait3A_221, %dma_wait3A_222] : memref<3x64x144xf32, #tpu.memory_space<vmem>> -> memref<1x64x144xf32, #tpu.memory_space<vmem>>
      %dma_wait3A_224 = tpu.memref_squeeze %dma_wait3A_223 : memref<1x64x144xf32, #tpu.memory_space<vmem>> -> memref<64x144xf32, #tpu.memory_space<vmem>>
      %dma_wait3A_225 = arith.constant 0 : i32
      %dma_wait3A_226 = tpu.memref_slice %arg10[%add3A_17, %dma_wait3A_225] : memref<10240x144xf32, #tpu.memory_space<vmem_shared>> -> memref<64x144xf32, #tpu.memory_space<vmem_shared>>
      %dma_wait3A_227 = arith.constant 0 : i32
      %dma_wait3A_228 = tpu.memref_slice %arg10[%add3A_17, %dma_wait3A_227] : memref<10240x144xf32, #tpu.memory_space<vmem_shared>> -> memref<64x144xf32, #tpu.memory_space<vmem_shared>>
      %dma_wait3A_229 = arith.constant 0 : i32
      %dma_wait3A_230 = arith.constant 0 : i32
      %dma_wait3A_231 = tpu.memref_slice %arg6[%run_scoped3A_18, %dma_wait3A_229, %dma_wait3A_230] : memref<3x64x144xf32, #tpu.memory_space<vmem>> -> memref<1x64x144xf32, #tpu.memory_space<vmem>>
      %dma_wait3A_232 = tpu.memref_squeeze %dma_wait3A_231 : memref<1x64x144xf32, #tpu.memory_space<vmem>> -> memref<64x144xf32, #tpu.memory_space<vmem>>
      tpu.wait_dma2 semaphore(%run_scoped3A_208 : memref<!tpu.dma_semaphore, #tpu.memory_space<semaphore_mem>>) src(%dma_wait3A_232 : memref<64x144xf32, #tpu.memory_space<vmem>>) dst(%dma_wait3A_228 : memref<64x144xf32, #tpu.memory_space<vmem_shared>>)
      tpu.yield
    }) : () -> ()
    %mul3A_19 = arith.constant 640 : i32
    %mul3A_20 = arith.muli %arg1, %mul3A_19 : i32
    %add3A_21 = arith.constant 192 : i32
    %add3A_22 = arith.addi %mul3A_20, %add3A_21 : i32
    %run_scoped3A_23 = arith.constant 0 : i32
    "tpu.region"() ({
      %run_scoped3A_208 = tpu.sem_alloc : memref<!tpu.dma_semaphore, #tpu.memory_space<semaphore_mem>>
      %dma_start3A_209 = arith.constant 0 : i32
      %dma_start3A_210 = arith.constant 0 : i32
      %dma_start3A_211 = tpu.memref_slice %arg6[%run_scoped3A_23, %dma_start3A_209, %dma_start3A_210] : memref<3x64x144xf32, #tpu.memory_space<vmem>> -> memref<1x64x144xf32, #tpu.memory_space<vmem>>
      %dma_start3A_212 = tpu.memref_squeeze %dma_start3A_211 : memref<1x64x144xf32, #tpu.memory_space<vmem>> -> memref<64x144xf32, #tpu.memory_space<vmem>>
      %dma_start3A_213 = arith.constant 0 : i32
      %dma_start3A_214 = tpu.memref_slice %arg10[%add3A_22, %dma_start3A_213] : memref<10240x144xf32, #tpu.memory_space<vmem_shared>> -> memref<64x144xf32, #tpu.memory_space<vmem_shared>>
      %dma_start3A_215 = arith.constant 0 : i32
      %dma_start3A_216 = tpu.memref_slice %arg10[%add3A_22, %dma_start3A_215] : memref<10240x144xf32, #tpu.memory_space<vmem_shared>> -> memref<64x144xf32, #tpu.memory_space<vmem_shared>>
      %dma_start3A_217 = arith.constant 0 : i32
      %dma_start3A_218 = arith.constant 0 : i32
      %dma_start3A_219 = tpu.memref_slice %arg6[%run_scoped3A_23, %dma_start3A_217, %dma_start3A_218] : memref<3x64x144xf32, #tpu.memory_space<vmem>> -> memref<1x64x144xf32, #tpu.memory_space<vmem>>
      %dma_start3A_220 = tpu.memref_squeeze %dma_start3A_219 : memref<1x64x144xf32, #tpu.memory_space<vmem>> -> memref<64x144xf32, #tpu.memory_space<vmem>>
      tpu.enqueue_dma source(%dma_start3A_220 : memref<64x144xf32, #tpu.memory_space<vmem>>) target(%dma_start3A_216 : memref<64x144xf32, #tpu.memory_space<vmem_shared>>) target_semaphore(%run_scoped3A_208 : memref<!tpu.dma_semaphore, #tpu.memory_space<semaphore_mem>>)
      %dma_wait3A_221 = arith.constant 0 : i32
      %dma_wait3A_222 = arith.constant 0 : i32
      %dma_wait3A_223 = tpu.memref_slice %arg6[%run_scoped3A_23, %dma_wait3A_221, %dma_wait3A_222] : memref<3x64x144xf32, #tpu.memory_space<vmem>> -> memref<1x64x144xf32, #tpu.memory_space<vmem>>
      %dma_wait3A_224 = tpu.memref_squeeze %dma_wait3A_223 : memref<1x64x144xf32, #tpu.memory_space<vmem>> -> memref<64x144xf32, #tpu.memory_space<vmem>>
      %dma_wait3A_225 = arith.constant 0 : i32
      %dma_wait3A_226 = tpu.memref_slice %arg10[%add3A_22, %dma_wait3A_225] : memref<10240x144xf32, #tpu.memory_space<vmem_shared>> -> memref<64x144xf32, #tpu.memory_space<vmem_shared>>
      %dma_wait3A_227 = arith.constant 0 : i32
      %dma_wait3A_228 = tpu.memref_slice %arg10[%add3A_22, %dma_wait3A_227] : memref<10240x144xf32, #tpu.memory_space<vmem_shared>> -> memref<64x144xf32, #tpu.memory_space<vmem_shared>>
      %dma_wait3A_229 = arith.constant 0 : i32
      %dma_wait3A_230 = arith.constant 0 : i32
      %dma_wait3A_231 = tpu.memref_slice %arg6[%run_scoped3A_23, %dma_wait3A_229, %dma_wait3A_230] : memref<3x64x144xf32, #tpu.memory_space<vmem>> -> memref<1x64x144xf32, #tpu.memory_space<vmem>>
      %dma_wait3A_232 = tpu.memref_squeeze %dma_wait3A_231 : memref<1x64x144xf32, #tpu.memory_space<vmem>> -> memref<64x144xf32, #tpu.memory_space<vmem>>
      tpu.wait_dma2 semaphore(%run_scoped3A_208 : memref<!tpu.dma_semaphore, #tpu.memory_space<semaphore_mem>>) src(%dma_wait3A_232 : memref<64x144xf32, #tpu.memory_space<vmem>>) dst(%dma_wait3A_228 : memref<64x144xf32, #tpu.memory_space<vmem_shared>>)
      tpu.yield
    }) : () -> ()
    %mul3A_24 = arith.constant 640 : i32
    %mul3A_25 = arith.muli %arg1, %mul3A_24 : i32
    %add3A_26 = arith.constant 256 : i32
    %add3A_27 = arith.addi %mul3A_25, %add3A_26 : i32
    %run_scoped3A_28 = arith.constant 0 : i32
    "tpu.region"() ({
      %run_scoped3A_208 = tpu.sem_alloc : memref<!tpu.dma_semaphore, #tpu.memory_space<semaphore_mem>>
      %dma_start3A_209 = arith.constant 0 : i32
      %dma_start3A_210 = arith.constant 0 : i32
      %dma_start3A_211 = tpu.memref_slice %arg6[%run_scoped3A_28, %dma_start3A_209, %dma_start3A_210] : memref<3x64x144xf32, #tpu.memory_space<vmem>> -> memref<1x64x144xf32, #tpu.memory_space<vmem>>
      %dma_start3A_212 = tpu.memref_squeeze %dma_start3A_211 : memref<1x64x144xf32, #tpu.memory_space<vmem>> -> memref<64x144xf32, #tpu.memory_space<vmem>>
      %dma_start3A_213 = arith.constant 0 : i32
      %dma_start3A_214 = tpu.memref_slice %arg10[%add3A_27, %dma_start3A_213] : memref<10240x144xf32, #tpu.memory_space<vmem_shared>> -> memref<64x144xf32, #tpu.memory_space<vmem_shared>>
      %dma_start3A_215 = arith.constant 0 : i32
      %dma_start3A_216 = tpu.memref_slice %arg10[%add3A_27, %dma_start3A_215] : memref<10240x144xf32, #tpu.memory_space<vmem_shared>> -> memref<64x144xf32, #tpu.memory_space<vmem_shared>>
      %dma_start3A_217 = arith.constant 0 : i32
      %dma_start3A_218 = arith.constant 0 : i32
      %dma_start3A_219 = tpu.memref_slice %arg6[%run_scoped3A_28, %dma_start3A_217, %dma_start3A_218] : memref<3x64x144xf32, #tpu.memory_space<vmem>> -> memref<1x64x144xf32, #tpu.memory_space<vmem>>
      %dma_start3A_220 = tpu.memref_squeeze %dma_start3A_219 : memref<1x64x144xf32, #tpu.memory_space<vmem>> -> memref<64x144xf32, #tpu.memory_space<vmem>>
      tpu.enqueue_dma source(%dma_start3A_220 : memref<64x144xf32, #tpu.memory_space<vmem>>) target(%dma_start3A_216 : memref<64x144xf32, #tpu.memory_space<vmem_shared>>) target_semaphore(%run_scoped3A_208 : memref<!tpu.dma_semaphore, #tpu.memory_space<semaphore_mem>>)
      %dma_wait3A_221 = arith.constant 0 : i32
      %dma_wait3A_222 = arith.constant 0 : i32
      %dma_wait3A_223 = tpu.memref_slice %arg6[%run_scoped3A_28, %dma_wait3A_221, %dma_wait3A_222] : memref<3x64x144xf32, #tpu.memory_space<vmem>> -> memref<1x64x144xf32, #tpu.memory_space<vmem>>
      %dma_wait3A_224 = tpu.memref_squeeze %dma_wait3A_223 : memref<1x64x144xf32, #tpu.memory_space<vmem>> -> memref<64x144xf32, #tpu.memory_space<vmem>>
      %dma_wait3A_225 = arith.constant 0 : i32
      %dma_wait3A_226 = tpu.memref_slice %arg10[%add3A_27, %dma_wait3A_225] : memref<10240x144xf32, #tpu.memory_space<vmem_shared>> -> memref<64x144xf32, #tpu.memory_space<vmem_shared>>
      %dma_wait3A_227 = arith.constant 0 : i32
      %dma_wait3A_228 = tpu.memref_slice %arg10[%add3A_27, %dma_wait3A_227] : memref<10240x144xf32, #tpu.memory_space<vmem_shared>> -> memref<64x144xf32, #tpu.memory_space<vmem_shared>>
      %dma_wait3A_229 = arith.constant 0 : i32
      %dma_wait3A_230 = arith.constant 0 : i32
      %dma_wait3A_231 = tpu.memref_slice %arg6[%run_scoped3A_28, %dma_wait3A_229, %dma_wait3A_230] : memref<3x64x144xf32, #tpu.memory_space<vmem>> -> memref<1x64x144xf32, #tpu.memory_space<vmem>>
      %dma_wait3A_232 = tpu.memref_squeeze %dma_wait3A_231 : memref<1x64x144xf32, #tpu.memory_space<vmem>> -> memref<64x144xf32, #tpu.memory_space<vmem>>
      tpu.wait_dma2 semaphore(%run_scoped3A_208 : memref<!tpu.dma_semaphore, #tpu.memory_space<semaphore_mem>>) src(%dma_wait3A_232 : memref<64x144xf32, #tpu.memory_space<vmem>>) dst(%dma_wait3A_228 : memref<64x144xf32, #tpu.memory_space<vmem_shared>>)
      tpu.yield
    }) : () -> ()
    %mul3A_29 = arith.constant 640 : i32
    %mul3A_30 = arith.muli %arg1, %mul3A_29 : i32
    %add3A_31 = arith.constant 320 : i32
    %add3A_32 = arith.addi %mul3A_30, %add3A_31 : i32
    %run_scoped3A_33 = arith.constant 0 : i32
    "tpu.region"() ({
      %run_scoped3A_208 = tpu.sem_alloc : memref<!tpu.dma_semaphore, #tpu.memory_space<semaphore_mem>>
      %dma_start3A_209 = arith.constant 0 : i32
      %dma_start3A_210 = arith.constant 0 : i32
      %dma_start3A_211 = tpu.memref_slice %arg6[%run_scoped3A_33, %dma_start3A_209, %dma_start3A_210] : memref<3x64x144xf32, #tpu.memory_space<vmem>> -> memref<1x64x144xf32, #tpu.memory_space<vmem>>
      %dma_start3A_212 = tpu.memref_squeeze %dma_start3A_211 : memref<1x64x144xf32, #tpu.memory_space<vmem>> -> memref<64x144xf32, #tpu.memory_space<vmem>>
      %dma_start3A_213 = arith.constant 0 : i32
      %dma_start3A_214 = tpu.memref_slice %arg10[%add3A_32, %dma_start3A_213] : memref<10240x144xf32, #tpu.memory_space<vmem_shared>> -> memref<64x144xf32, #tpu.memory_space<vmem_shared>>
      %dma_start3A_215 = arith.constant 0 : i32
      %dma_start3A_216 = tpu.memref_slice %arg10[%add3A_32, %dma_start3A_215] : memref<10240x144xf32, #tpu.memory_space<vmem_shared>> -> memref<64x144xf32, #tpu.memory_space<vmem_shared>>
      %dma_start3A_217 = arith.constant 0 : i32
      %dma_start3A_218 = arith.constant 0 : i32
      %dma_start3A_219 = tpu.memref_slice %arg6[%run_scoped3A_33, %dma_start3A_217, %dma_start3A_218] : memref<3x64x144xf32, #tpu.memory_space<vmem>> -> memref<1x64x144xf32, #tpu.memory_space<vmem>>
      %dma_start3A_220 = tpu.memref_squeeze %dma_start3A_219 : memref<1x64x144xf32, #tpu.memory_space<vmem>> -> memref<64x144xf32, #tpu.memory_space<vmem>>
      tpu.enqueue_dma source(%dma_start3A_220 : memref<64x144xf32, #tpu.memory_space<vmem>>) target(%dma_start3A_216 : memref<64x144xf32, #tpu.memory_space<vmem_shared>>) target_semaphore(%run_scoped3A_208 : memref<!tpu.dma_semaphore, #tpu.memory_space<semaphore_mem>>)
      %dma_wait3A_221 = arith.constant 0 : i32
      %dma_wait3A_222 = arith.constant 0 : i32
      %dma_wait3A_223 = tpu.memref_slice %arg6[%run_scoped3A_33, %dma_wait3A_221, %dma_wait3A_222] : memref<3x64x144xf32, #tpu.memory_space<vmem>> -> memref<1x64x144xf32, #tpu.memory_space<vmem>>
      %dma_wait3A_224 = tpu.memref_squeeze %dma_wait3A_223 : memref<1x64x144xf32, #tpu.memory_space<vmem>> -> memref<64x144xf32, #tpu.memory_space<vmem>>
      %dma_wait3A_225 = arith.constant 0 : i32
      %dma_wait3A_226 = tpu.memref_slice %arg10[%add3A_32, %dma_wait3A_225] : memref<10240x144xf32, #tpu.memory_space<vmem_shared>> -> memref<64x144xf32, #tpu.memory_space<vmem_shared>>
      %dma_wait3A_227 = arith.constant 0 : i32
      %dma_wait3A_228 = tpu.memref_slice %arg10[%add3A_32, %dma_wait3A_227] : memref<10240x144xf32, #tpu.memory_space<vmem_shared>> -> memref<64x144xf32, #tpu.memory_space<vmem_shared>>
      %dma_wait3A_229 = arith.constant 0 : i32
      %dma_wait3A_230 = arith.constant 0 : i32
      %dma_wait3A_231 = tpu.memref_slice %arg6[%run_scoped3A_33, %dma_wait3A_229, %dma_wait3A_230] : memref<3x64x144xf32, #tpu.memory_space<vmem>> -> memref<1x64x144xf32, #tpu.memory_space<vmem>>
      %dma_wait3A_232 = tpu.memref_squeeze %dma_wait3A_231 : memref<1x64x144xf32, #tpu.memory_space<vmem>> -> memref<64x144xf32, #tpu.memory_space<vmem>>
      tpu.wait_dma2 semaphore(%run_scoped3A_208 : memref<!tpu.dma_semaphore, #tpu.memory_space<semaphore_mem>>) src(%dma_wait3A_232 : memref<64x144xf32, #tpu.memory_space<vmem>>) dst(%dma_wait3A_228 : memref<64x144xf32, #tpu.memory_space<vmem_shared>>)
      tpu.yield
    }) : () -> ()
    %mul3A_34 = arith.constant 640 : i32
    %mul3A_35 = arith.muli %arg1, %mul3A_34 : i32
    %add3A_36 = arith.constant 384 : i32
    %add3A_37 = arith.addi %mul3A_35, %add3A_36 : i32
    %run_scoped3A_38 = arith.constant 0 : i32
    "tpu.region"() ({
      %run_scoped3A_208 = tpu.sem_alloc : memref<!tpu.dma_semaphore, #tpu.memory_space<semaphore_mem>>
      %dma_start3A_209 = arith.constant 0 : i32
      %dma_start3A_210 = arith.constant 0 : i32
      %dma_start3A_211 = tpu.memref_slice %arg6[%run_scoped3A_38, %dma_start3A_209, %dma_start3A_210] : memref<3x64x144xf32, #tpu.memory_space<vmem>> -> memref<1x64x144xf32, #tpu.memory_space<vmem>>
      %dma_start3A_212 = tpu.memref_squeeze %dma_start3A_211 : memref<1x64x144xf32, #tpu.memory_space<vmem>> -> memref<64x144xf32, #tpu.memory_space<vmem>>
      %dma_start3A_213 = arith.constant 0 : i32
      %dma_start3A_214 = tpu.memref_slice %arg10[%add3A_37, %dma_start3A_213] : memref<10240x144xf32, #tpu.memory_space<vmem_shared>> -> memref<64x144xf32, #tpu.memory_space<vmem_shared>>
      %dma_start3A_215 = arith.constant 0 : i32
      %dma_start3A_216 = tpu.memref_slice %arg10[%add3A_37, %dma_start3A_215] : memref<10240x144xf32, #tpu.memory_space<vmem_shared>> -> memref<64x144xf32, #tpu.memory_space<vmem_shared>>
      %dma_start3A_217 = arith.constant 0 : i32
      %dma_start3A_218 = arith.constant 0 : i32
      %dma_start3A_219 = tpu.memref_slice %arg6[%run_scoped3A_38, %dma_start3A_217, %dma_start3A_218] : memref<3x64x144xf32, #tpu.memory_space<vmem>> -> memref<1x64x144xf32, #tpu.memory_space<vmem>>
      %dma_start3A_220 = tpu.memref_squeeze %dma_start3A_219 : memref<1x64x144xf32, #tpu.memory_space<vmem>> -> memref<64x144xf32, #tpu.memory_space<vmem>>
      tpu.enqueue_dma source(%dma_start3A_220 : memref<64x144xf32, #tpu.memory_space<vmem>>) target(%dma_start3A_216 : memref<64x144xf32, #tpu.memory_space<vmem_shared>>) target_semaphore(%run_scoped3A_208 : memref<!tpu.dma_semaphore, #tpu.memory_space<semaphore_mem>>)
      %dma_wait3A_221 = arith.constant 0 : i32
      %dma_wait3A_222 = arith.constant 0 : i32
      %dma_wait3A_223 = tpu.memref_slice %arg6[%run_scoped3A_38, %dma_wait3A_221, %dma_wait3A_222] : memref<3x64x144xf32, #tpu.memory_space<vmem>> -> memref<1x64x144xf32, #tpu.memory_space<vmem>>
      %dma_wait3A_224 = tpu.memref_squeeze %dma_wait3A_223 : memref<1x64x144xf32, #tpu.memory_space<vmem>> -> memref<64x144xf32, #tpu.memory_space<vmem>>
      %dma_wait3A_225 = arith.constant 0 : i32
      %dma_wait3A_226 = tpu.memref_slice %arg10[%add3A_37, %dma_wait3A_225] : memref<10240x144xf32, #tpu.memory_space<vmem_shared>> -> memref<64x144xf32, #tpu.memory_space<vmem_shared>>
      %dma_wait3A_227 = arith.constant 0 : i32
      %dma_wait3A_228 = tpu.memref_slice %arg10[%add3A_37, %dma_wait3A_227] : memref<10240x144xf32, #tpu.memory_space<vmem_shared>> -> memref<64x144xf32, #tpu.memory_space<vmem_shared>>
      %dma_wait3A_229 = arith.constant 0 : i32
      %dma_wait3A_230 = arith.constant 0 : i32
      %dma_wait3A_231 = tpu.memref_slice %arg6[%run_scoped3A_38, %dma_wait3A_229, %dma_wait3A_230] : memref<3x64x144xf32, #tpu.memory_space<vmem>> -> memref<1x64x144xf32, #tpu.memory_space<vmem>>
      %dma_wait3A_232 = tpu.memref_squeeze %dma_wait3A_231 : memref<1x64x144xf32, #tpu.memory_space<vmem>> -> memref<64x144xf32, #tpu.memory_space<vmem>>
      tpu.wait_dma2 semaphore(%run_scoped3A_208 : memref<!tpu.dma_semaphore, #tpu.memory_space<semaphore_mem>>) src(%dma_wait3A_232 : memref<64x144xf32, #tpu.memory_space<vmem>>) dst(%dma_wait3A_228 : memref<64x144xf32, #tpu.memory_space<vmem_shared>>)
      tpu.yield
    }) : () -> ()
    %mul3A_39 = arith.constant 640 : i32
    %mul3A_40 = arith.muli %arg1, %mul3A_39 : i32
    %add3A_41 = arith.constant 448 : i32
    %add3A_42 = arith.addi %mul3A_40, %add3A_41 : i32
    %run_scoped3A_43 = arith.constant 0 : i32
    "tpu.region"() ({
      %run_scoped3A_208 = tpu.sem_alloc : memref<!tpu.dma_semaphore, #tpu.memory_space<semaphore_mem>>
      %dma_start3A_209 = arith.constant 0 : i32
      %dma_start3A_210 = arith.constant 0 : i32
      %dma_start3A_211 = tpu.memref_slice %arg6[%run_scoped3A_43, %dma_start3A_209, %dma_start3A_210] : memref<3x64x144xf32, #tpu.memory_space<vmem>> -> memref<1x64x144xf32, #tpu.memory_space<vmem>>
      %dma_start3A_212 = tpu.memref_squeeze %dma_start3A_211 : memref<1x64x144xf32, #tpu.memory_space<vmem>> -> memref<64x144xf32, #tpu.memory_space<vmem>>
      %dma_start3A_213 = arith.constant 0 : i32
      %dma_start3A_214 = tpu.memref_slice %arg10[%add3A_42, %dma_start3A_213] : memref<10240x144xf32, #tpu.memory_space<vmem_shared>> -> memref<64x144xf32, #tpu.memory_space<vmem_shared>>
      %dma_start3A_215 = arith.constant 0 : i32
      %dma_start3A_216 = tpu.memref_slice %arg10[%add3A_42, %dma_start3A_215] : memref<10240x144xf32, #tpu.memory_space<vmem_shared>> -> memref<64x144xf32, #tpu.memory_space<vmem_shared>>
      %dma_start3A_217 = arith.constant 0 : i32
      %dma_start3A_218 = arith.constant 0 : i32
      %dma_start3A_219 = tpu.memref_slice %arg6[%run_scoped3A_43, %dma_start3A_217, %dma_start3A_218] : memref<3x64x144xf32, #tpu.memory_space<vmem>> -> memref<1x64x144xf32, #tpu.memory_space<vmem>>
      %dma_start3A_220 = tpu.memref_squeeze %dma_start3A_219 : memref<1x64x144xf32, #tpu.memory_space<vmem>> -> memref<64x144xf32, #tpu.memory_space<vmem>>
      tpu.enqueue_dma source(%dma_start3A_220 : memref<64x144xf32, #tpu.memory_space<vmem>>) target(%dma_start3A_216 : memref<64x144xf32, #tpu.memory_space<vmem_shared>>) target_semaphore(%run_scoped3A_208 : memref<!tpu.dma_semaphore, #tpu.memory_space<semaphore_mem>>)
      %dma_wait3A_221 = arith.constant 0 : i32
      %dma_wait3A_222 = arith.constant 0 : i32
      %dma_wait3A_223 = tpu.memref_slice %arg6[%run_scoped3A_43, %dma_wait3A_221, %dma_wait3A_222] : memref<3x64x144xf32, #tpu.memory_space<vmem>> -> memref<1x64x144xf32, #tpu.memory_space<vmem>>
      %dma_wait3A_224 = tpu.memref_squeeze %dma_wait3A_223 : memref<1x64x144xf32, #tpu.memory_space<vmem>> -> memref<64x144xf32, #tpu.memory_space<vmem>>
      %dma_wait3A_225 = arith.constant 0 : i32
      %dma_wait3A_226 = tpu.memref_slice %arg10[%add3A_42, %dma_wait3A_225] : memref<10240x144xf32, #tpu.memory_space<vmem_shared>> -> memref<64x144xf32, #tpu.memory_space<vmem_shared>>
      %dma_wait3A_227 = arith.constant 0 : i32
      %dma_wait3A_228 = tpu.memref_slice %arg10[%add3A_42, %dma_wait3A_227] : memref<10240x144xf32, #tpu.memory_space<vmem_shared>> -> memref<64x144xf32, #tpu.memory_space<vmem_shared>>
      %dma_wait3A_229 = arith.constant 0 : i32
      %dma_wait3A_230 = arith.constant 0 : i32
      %dma_wait3A_231 = tpu.memref_slice %arg6[%run_scoped3A_43, %dma_wait3A_229, %dma_wait3A_230] : memref<3x64x144xf32, #tpu.memory_space<vmem>> -> memref<1x64x144xf32, #tpu.memory_space<vmem>>
      %dma_wait3A_232 = tpu.memref_squeeze %dma_wait3A_231 : memref<1x64x144xf32, #tpu.memory_space<vmem>> -> memref<64x144xf32, #tpu.memory_space<vmem>>
      tpu.wait_dma2 semaphore(%run_scoped3A_208 : memref<!tpu.dma_semaphore, #tpu.memory_space<semaphore_mem>>) src(%dma_wait3A_232 : memref<64x144xf32, #tpu.memory_space<vmem>>) dst(%dma_wait3A_228 : memref<64x144xf32, #tpu.memory_space<vmem_shared>>)
      tpu.yield
    }) : () -> ()
    %mul3A_44 = arith.constant 640 : i32
    %mul3A_45 = arith.muli %arg1, %mul3A_44 : i32
    %add3A_46 = arith.constant 512 : i32
    %add3A_47 = arith.addi %mul3A_45, %add3A_46 : i32
    %run_scoped3A_48 = arith.constant 0 : i32
    "tpu.region"() ({
      %run_scoped3A_208 = tpu.sem_alloc : memref<!tpu.dma_semaphore, #tpu.memory_space<semaphore_mem>>
      %dma_start3A_209 = arith.constant 0 : i32
      %dma_start3A_210 = arith.constant 0 : i32
      %dma_start3A_211 = tpu.memref_slice %arg6[%run_scoped3A_48, %dma_start3A_209, %dma_start3A_210] : memref<3x64x144xf32, #tpu.memory_space<vmem>> -> memref<1x64x144xf32, #tpu.memory_space<vmem>>
      %dma_start3A_212 = tpu.memref_squeeze %dma_start3A_211 : memref<1x64x144xf32, #tpu.memory_space<vmem>> -> memref<64x144xf32, #tpu.memory_space<vmem>>
      %dma_start3A_213 = arith.constant 0 : i32
      %dma_start3A_214 = tpu.memref_slice %arg10[%add3A_47, %dma_start3A_213] : memref<10240x144xf32, #tpu.memory_space<vmem_shared>> -> memref<64x144xf32, #tpu.memory_space<vmem_shared>>
      %dma_start3A_215 = arith.constant 0 : i32
      %dma_start3A_216 = tpu.memref_slice %arg10[%add3A_47, %dma_start3A_215] : memref<10240x144xf32, #tpu.memory_space<vmem_shared>> -> memref<64x144xf32, #tpu.memory_space<vmem_shared>>
      %dma_start3A_217 = arith.constant 0 : i32
      %dma_start3A_218 = arith.constant 0 : i32
      %dma_start3A_219 = tpu.memref_slice %arg6[%run_scoped3A_48, %dma_start3A_217, %dma_start3A_218] : memref<3x64x144xf32, #tpu.memory_space<vmem>> -> memref<1x64x144xf32, #tpu.memory_space<vmem>>
      %dma_start3A_220 = tpu.memref_squeeze %dma_start3A_219 : memref<1x64x144xf32, #tpu.memory_space<vmem>> -> memref<64x144xf32, #tpu.memory_space<vmem>>
      tpu.enqueue_dma source(%dma_start3A_220 : memref<64x144xf32, #tpu.memory_space<vmem>>) target(%dma_start3A_216 : memref<64x144xf32, #tpu.memory_space<vmem_shared>>) target_semaphore(%run_scoped3A_208 : memref<!tpu.dma_semaphore, #tpu.memory_space<semaphore_mem>>)
      %dma_wait3A_221 = arith.constant 0 : i32
      %dma_wait3A_222 = arith.constant 0 : i32
      %dma_wait3A_223 = tpu.memref_slice %arg6[%run_scoped3A_48, %dma_wait3A_221, %dma_wait3A_222] : memref<3x64x144xf32, #tpu.memory_space<vmem>> -> memref<1x64x144xf32, #tpu.memory_space<vmem>>
      %dma_wait3A_224 = tpu.memref_squeeze %dma_wait3A_223 : memref<1x64x144xf32, #tpu.memory_space<vmem>> -> memref<64x144xf32, #tpu.memory_space<vmem>>
      %dma_wait3A_225 = arith.constant 0 : i32
      %dma_wait3A_226 = tpu.memref_slice %arg10[%add3A_47, %dma_wait3A_225] : memref<10240x144xf32, #tpu.memory_space<vmem_shared>> -> memref<64x144xf32, #tpu.memory_space<vmem_shared>>
      %dma_wait3A_227 = arith.constant 0 : i32
      %dma_wait3A_228 = tpu.memref_slice %arg10[%add3A_47, %dma_wait3A_227] : memref<10240x144xf32, #tpu.memory_space<vmem_shared>> -> memref<64x144xf32, #tpu.memory_space<vmem_shared>>
      %dma_wait3A_229 = arith.constant 0 : i32
      %dma_wait3A_230 = arith.constant 0 : i32
      %dma_wait3A_231 = tpu.memref_slice %arg6[%run_scoped3A_48, %dma_wait3A_229, %dma_wait3A_230] : memref<3x64x144xf32, #tpu.memory_space<vmem>> -> memref<1x64x144xf32, #tpu.memory_space<vmem>>
      %dma_wait3A_232 = tpu.memref_squeeze %dma_wait3A_231 : memref<1x64x144xf32, #tpu.memory_space<vmem>> -> memref<64x144xf32, #tpu.memory_space<vmem>>
      tpu.wait_dma2 semaphore(%run_scoped3A_208 : memref<!tpu.dma_semaphore, #tpu.memory_space<semaphore_mem>>) src(%dma_wait3A_232 : memref<64x144xf32, #tpu.memory_space<vmem>>) dst(%dma_wait3A_228 : memref<64x144xf32, #tpu.memory_space<vmem_shared>>)
      tpu.yield
    }) : () -> ()
    %mul3A_49 = arith.constant 640 : i32
    %mul3A_50 = arith.muli %arg1, %mul3A_49 : i32
    %add3A_51 = arith.constant 576 : i32
    %add3A_52 = arith.addi %mul3A_50, %add3A_51 : i32
    %run_scoped3A_53 = arith.constant 0 : i32
    "tpu.region"() ({
      %run_scoped3A_208 = tpu.sem_alloc : memref<!tpu.dma_semaphore, #tpu.memory_space<semaphore_mem>>
      %dma_start3A_209 = arith.constant 0 : i32
      %dma_start3A_210 = arith.constant 0 : i32
      %dma_start3A_211 = tpu.memref_slice %arg6[%run_scoped3A_53, %dma_start3A_209, %dma_start3A_210] : memref<3x64x144xf32, #tpu.memory_space<vmem>> -> memref<1x64x144xf32, #tpu.memory_space<vmem>>
      %dma_start3A_212 = tpu.memref_squeeze %dma_start3A_211 : memref<1x64x144xf32, #tpu.memory_space<vmem>> -> memref<64x144xf32, #tpu.memory_space<vmem>>
      %dma_start3A_213 = arith.constant 0 : i32
      %dma_start3A_214 = tpu.memref_slice %arg10[%add3A_52, %dma_start3A_213] : memref<10240x144xf32, #tpu.memory_space<vmem_shared>> -> memref<64x144xf32, #tpu.memory_space<vmem_shared>>
      %dma_start3A_215 = arith.constant 0 : i32
      %dma_start3A_216 = tpu.memref_slice %arg10[%add3A_52, %dma_start3A_215] : memref<10240x144xf32, #tpu.memory_space<vmem_shared>> -> memref<64x144xf32, #tpu.memory_space<vmem_shared>>
      %dma_start3A_217 = arith.constant 0 : i32
      %dma_start3A_218 = arith.constant 0 : i32
      %dma_start3A_219 = tpu.memref_slice %arg6[%run_scoped3A_53, %dma_start3A_217, %dma_start3A_218] : memref<3x64x144xf32, #tpu.memory_space<vmem>> -> memref<1x64x144xf32, #tpu.memory_space<vmem>>
      %dma_start3A_220 = tpu.memref_squeeze %dma_start3A_219 : memref<1x64x144xf32, #tpu.memory_space<vmem>> -> memref<64x144xf32, #tpu.memory_space<vmem>>
      tpu.enqueue_dma source(%dma_start3A_220 : memref<64x144xf32, #tpu.memory_space<vmem>>) target(%dma_start3A_216 : memref<64x144xf32, #tpu.memory_space<vmem_shared>>) target_semaphore(%run_scoped3A_208 : memref<!tpu.dma_semaphore, #tpu.memory_space<semaphore_mem>>)
      %dma_wait3A_221 = arith.constant 0 : i32
      %dma_wait3A_222 = arith.constant 0 : i32
      %dma_wait3A_223 = tpu.memref_slice %arg6[%run_scoped3A_53, %dma_wait3A_221, %dma_wait3A_222] : memref<3x64x144xf32, #tpu.memory_space<vmem>> -> memref<1x64x144xf32, #tpu.memory_space<vmem>>
      %dma_wait3A_224 = tpu.memref_squeeze %dma_wait3A_223 : memref<1x64x144xf32, #tpu.memory_space<vmem>> -> memref<64x144xf32, #tpu.memory_space<vmem>>
      %dma_wait3A_225 = arith.constant 0 : i32
      %dma_wait3A_226 = tpu.memref_slice %arg10[%add3A_52, %dma_wait3A_225] : memref<10240x144xf32, #tpu.memory_space<vmem_shared>> -> memref<64x144xf32, #tpu.memory_space<vmem_shared>>
      %dma_wait3A_227 = arith.constant 0 : i32
      %dma_wait3A_228 = tpu.memref_slice %arg10[%add3A_52, %dma_wait3A_227] : memref<10240x144xf32, #tpu.memory_space<vmem_shared>> -> memref<64x144xf32, #tpu.memory_space<vmem_shared>>
      %dma_wait3A_229 = arith.constant 0 : i32
      %dma_wait3A_230 = arith.constant 0 : i32
      %dma_wait3A_231 = tpu.memref_slice %arg6[%run_scoped3A_53, %dma_wait3A_229, %dma_wait3A_230] : memref<3x64x144xf32, #tpu.memory_space<vmem>> -> memref<1x64x144xf32, #tpu.memory_space<vmem>>
      %dma_wait3A_232 = tpu.memref_squeeze %dma_wait3A_231 : memref<1x64x144xf32, #tpu.memory_space<vmem>> -> memref<64x144xf32, #tpu.memory_space<vmem>>
      tpu.wait_dma2 semaphore(%run_scoped3A_208 : memref<!tpu.dma_semaphore, #tpu.memory_space<semaphore_mem>>) src(%dma_wait3A_232 : memref<64x144xf32, #tpu.memory_space<vmem>>) dst(%dma_wait3A_228 : memref<64x144xf32, #tpu.memory_space<vmem_shared>>)
      tpu.yield
    }) : () -> ()
    %barrier3A = arith.constant 0 : index
    tpu.barrier barrier_id(%barrier3A)
    %rem3A = arith.constant 0 : i32
    %rem3A_54 = arith.constant 4 : i32
    %rem3A_55 = arith.remsi %rem3A, %rem3A_54 : i32
    %rem3A_56 = arith.constant 0 : i32
    %rem3A_57 = arith.constant 4 : i32
    %rem3A_58 = arith.remsi %rem3A_56, %rem3A_57 : i32
    %dma_start3A = arith.constant 0 : i32
    %dma_start3A_59 = arith.constant 0 : i32
    %dma_start3A_60 = arith.constant 0 : i32
    %dma_start3A_61 = tpu.memref_slice %arg5[%rem3A_55, %dma_start3A_59, %dma_start3A_60] : memref<4x2x64xi32, #tpu.memory_space<vmem>> -> memref<1x2x64xi32, #tpu.memory_space<vmem>>
    %dma_start3A_62 = tpu.memref_squeeze %dma_start3A_61 : memref<1x2x64xi32, #tpu.memory_space<vmem>> -> memref<2x64xi32, #tpu.memory_space<vmem>>
    %dma_start3A_63 = arith.constant 0 : i32
    %dma_start3A_64 = arith.constant 0 : i32
    %dma_start3A_65 = tpu.memref_slice %arg3[%add3A, %dma_start3A, %dma_start3A_63, %dma_start3A_64] : memref<32x158x2x64xi32, #tpu.memory_space<hbm>> -> memref<1x1x2x64xi32, #tpu.memory_space<hbm>>
    %dma_start3A_66 = tpu.memref_squeeze %dma_start3A_65 : memref<1x1x2x64xi32, #tpu.memory_space<hbm>> -> memref<2x64xi32, #tpu.memory_space<hbm>>
    %dma_start3A_67 = tpu.memref_slice %arg7[%rem3A_58] : memref<4x!tpu.dma_semaphore, #tpu.memory_space<semaphore_mem>> -> memref<1x!tpu.dma_semaphore, #tpu.memory_space<semaphore_mem>>
    %dma_start3A_68 = tpu.memref_squeeze %dma_start3A_67 : memref<1x!tpu.dma_semaphore, #tpu.memory_space<semaphore_mem>> -> memref<!tpu.dma_semaphore, #tpu.memory_space<semaphore_mem>>
    %dma_start3A_69 = arith.constant 0 : i32
    %dma_start3A_70 = arith.constant 0 : i32
    %dma_start3A_71 = tpu.memref_slice %arg5[%rem3A_55, %dma_start3A_69, %dma_start3A_70] : memref<4x2x64xi32, #tpu.memory_space<vmem>> -> memref<1x2x64xi32, #tpu.memory_space<vmem>>
    %dma_start3A_72 = tpu.memref_squeeze %dma_start3A_71 : memref<1x2x64xi32, #tpu.memory_space<vmem>> -> memref<2x64xi32, #tpu.memory_space<vmem>>
    %dma_start3A_73 = arith.constant 0 : i32
    %dma_start3A_74 = arith.constant 0 : i32
    %dma_start3A_75 = tpu.memref_slice %arg3[%add3A, %dma_start3A, %dma_start3A_73, %dma_start3A_74] : memref<32x158x2x64xi32, #tpu.memory_space<hbm>> -> memref<1x1x2x64xi32, #tpu.memory_space<hbm>>
    %dma_start3A_76 = tpu.memref_squeeze %dma_start3A_75 : memref<1x1x2x64xi32, #tpu.memory_space<hbm>> -> memref<2x64xi32, #tpu.memory_space<hbm>>
    tpu.enqueue_dma source(%dma_start3A_76 : memref<2x64xi32, #tpu.memory_space<hbm>>) target(%dma_start3A_72 : memref<2x64xi32, #tpu.memory_space<vmem>>) target_semaphore(%dma_start3A_68 : memref<!tpu.dma_semaphore, #tpu.memory_space<semaphore_mem>>)
    %rem3A_77 = arith.constant 1 : i32
    %rem3A_78 = arith.constant 4 : i32
    %rem3A_79 = arith.remsi %rem3A_77, %rem3A_78 : i32
    %rem3A_80 = arith.constant 1 : i32
    %rem3A_81 = arith.constant 4 : i32
    %rem3A_82 = arith.remsi %rem3A_80, %rem3A_81 : i32
    %dma_start3A_83 = arith.constant 1 : i32
    %dma_start3A_84 = arith.constant 0 : i32
    %dma_start3A_85 = arith.constant 0 : i32
    %dma_start3A_86 = tpu.memref_slice %arg5[%rem3A_79, %dma_start3A_84, %dma_start3A_85] : memref<4x2x64xi32, #tpu.memory_space<vmem>> -> memref<1x2x64xi32, #tpu.memory_space<vmem>>
    %dma_start3A_87 = tpu.memref_squeeze %dma_start3A_86 : memref<1x2x64xi32, #tpu.memory_space<vmem>> -> memref<2x64xi32, #tpu.memory_space<vmem>>
    %dma_start3A_88 = arith.constant 0 : i32
    %dma_start3A_89 = arith.constant 0 : i32
    %dma_start3A_90 = tpu.memref_slice %arg3[%add3A, %dma_start3A_83, %dma_start3A_88, %dma_start3A_89] : memref<32x158x2x64xi32, #tpu.memory_space<hbm>> -> memref<1x1x2x64xi32, #tpu.memory_space<hbm>>
    %dma_start3A_91 = tpu.memref_squeeze %dma_start3A_90 : memref<1x1x2x64xi32, #tpu.memory_space<hbm>> -> memref<2x64xi32, #tpu.memory_space<hbm>>
    %dma_start3A_92 = tpu.memref_slice %arg7[%rem3A_82] : memref<4x!tpu.dma_semaphore, #tpu.memory_space<semaphore_mem>> -> memref<1x!tpu.dma_semaphore, #tpu.memory_space<semaphore_mem>>
    %dma_start3A_93 = tpu.memref_squeeze %dma_start3A_92 : memref<1x!tpu.dma_semaphore, #tpu.memory_space<semaphore_mem>> -> memref<!tpu.dma_semaphore, #tpu.memory_space<semaphore_mem>>
    %dma_start3A_94 = arith.constant 0 : i32
    %dma_start3A_95 = arith.constant 0 : i32
    %dma_start3A_96 = tpu.memref_slice %arg5[%rem3A_79, %dma_start3A_94, %dma_start3A_95] : memref<4x2x64xi32, #tpu.memory_space<vmem>> -> memref<1x2x64xi32, #tpu.memory_space<vmem>>
    %dma_start3A_97 = tpu.memref_squeeze %dma_start3A_96 : memref<1x2x64xi32, #tpu.memory_space<vmem>> -> memref<2x64xi32, #tpu.memory_space<vmem>>
    %dma_start3A_98 = arith.constant 0 : i32
    %dma_start3A_99 = arith.constant 0 : i32
    %dma_start3A_100 = tpu.memref_slice %arg3[%add3A, %dma_start3A_83, %dma_start3A_98, %dma_start3A_99] : memref<32x158x2x64xi32, #tpu.memory_space<hbm>> -> memref<1x1x2x64xi32, #tpu.memory_space<hbm>>
    %dma_start3A_101 = tpu.memref_squeeze %dma_start3A_100 : memref<1x1x2x64xi32, #tpu.memory_space<hbm>> -> memref<2x64xi32, #tpu.memory_space<hbm>>
    tpu.enqueue_dma source(%dma_start3A_101 : memref<2x64xi32, #tpu.memory_space<hbm>>) target(%dma_start3A_97 : memref<2x64xi32, #tpu.memory_space<vmem>>) target_semaphore(%dma_start3A_93 : memref<!tpu.dma_semaphore, #tpu.memory_space<semaphore_mem>>)
    %rem3A_102 = arith.constant 0 : i32
    %rem3A_103 = arith.constant 4 : i32
    %rem3A_104 = arith.remsi %rem3A_102, %rem3A_103 : i32
    %rem3A_105 = arith.constant 0 : i32
    %rem3A_106 = arith.constant 4 : i32
    %rem3A_107 = arith.remsi %rem3A_105, %rem3A_106 : i32
    %dma_wait3A = arith.constant 0 : i32
    %dma_wait3A_108 = arith.constant 0 : i32
    %dma_wait3A_109 = arith.constant 0 : i32
    %dma_wait3A_110 = tpu.memref_slice %arg5[%rem3A_104, %dma_wait3A_108, %dma_wait3A_109] : memref<4x2x64xi32, #tpu.memory_space<vmem>> -> memref<1x2x64xi32, #tpu.memory_space<vmem>>
    %dma_wait3A_111 = tpu.memref_squeeze %dma_wait3A_110 : memref<1x2x64xi32, #tpu.memory_space<vmem>> -> memref<2x64xi32, #tpu.memory_space<vmem>>
    %dma_wait3A_112 = arith.constant 0 : i32
    %dma_wait3A_113 = arith.constant 0 : i32
    %dma_wait3A_114 = tpu.memref_slice %arg3[%add3A, %dma_wait3A, %dma_wait3A_112, %dma_wait3A_113] : memref<32x158x2x64xi32, #tpu.memory_space<hbm>> -> memref<1x1x2x64xi32, #tpu.memory_space<hbm>>
    %dma_wait3A_115 = tpu.memref_squeeze %dma_wait3A_114 : memref<1x1x2x64xi32, #tpu.memory_space<hbm>> -> memref<2x64xi32, #tpu.memory_space<hbm>>
    %dma_wait3A_116 = tpu.memref_slice %arg7[%rem3A_107] : memref<4x!tpu.dma_semaphore, #tpu.memory_space<semaphore_mem>> -> memref<1x!tpu.dma_semaphore, #tpu.memory_space<semaphore_mem>>
    %dma_wait3A_117 = tpu.memref_squeeze %dma_wait3A_116 : memref<1x!tpu.dma_semaphore, #tpu.memory_space<semaphore_mem>> -> memref<!tpu.dma_semaphore, #tpu.memory_space<semaphore_mem>>
    %dma_wait3A_118 = arith.constant 0 : i32
    %dma_wait3A_119 = arith.constant 0 : i32
    %dma_wait3A_120 = tpu.memref_slice %arg5[%rem3A_104, %dma_wait3A_118, %dma_wait3A_119] : memref<4x2x64xi32, #tpu.memory_space<vmem>> -> memref<1x2x64xi32, #tpu.memory_space<vmem>>
    %dma_wait3A_121 = tpu.memref_squeeze %dma_wait3A_120 : memref<1x2x64xi32, #tpu.memory_space<vmem>> -> memref<2x64xi32, #tpu.memory_space<vmem>>
    %dma_wait3A_122 = arith.constant 0 : i32
    %dma_wait3A_123 = arith.constant 0 : i32
    %dma_wait3A_124 = tpu.memref_slice %arg3[%add3A, %dma_wait3A, %dma_wait3A_122, %dma_wait3A_123] : memref<32x158x2x64xi32, #tpu.memory_space<hbm>> -> memref<1x1x2x64xi32, #tpu.memory_space<hbm>>
    %dma_wait3A_125 = tpu.memref_squeeze %dma_wait3A_124 : memref<1x1x2x64xi32, #tpu.memory_space<hbm>> -> memref<2x64xi32, #tpu.memory_space<hbm>>
    tpu.wait_dma2 semaphore(%dma_wait3A_117 : memref<!tpu.dma_semaphore, #tpu.memory_space<semaphore_mem>>) src(%dma_wait3A_125 : memref<2x64xi32, #tpu.memory_space<hbm>>) dst(%dma_wait3A_121 : memref<2x64xi32, #tpu.memory_space<vmem>>)
    %rem3A_126 = arith.constant 0 : i32
    %rem3A_127 = arith.constant 3 : i32
    %rem3A_128 = arith.remsi %rem3A_126, %rem3A_127 : i32
    %rem3A_129 = arith.constant 0 : i32
    %rem3A_130 = arith.constant 4 : i32
    %rem3A_131 = arith.remsi %rem3A_129, %rem3A_130 : i32
    %dma_start3A_132 = arith.constant 0 : i32
    %dma_start3A_133 = arith.constant 0 : i32
    %dma_start3A_134 = arith.constant 0 : i32
    %dma_start3A_135 = tpu.memref_slice %arg6[%rem3A_128, %dma_start3A_133, %dma_start3A_134] : memref<3x64x144xf32, #tpu.memory_space<vmem>> -> memref<1x64x144xf32, #tpu.memory_space<vmem>>
    %dma_start3A_136 = tpu.memref_squeeze %dma_start3A_135 : memref<1x64x144xf32, #tpu.memory_space<vmem>> -> memref<64x144xf32, #tpu.memory_space<vmem>>
    %dma_start3A_137 = arith.constant 0 : i32
    %dma_start3A_138 = tpu.memref_slice %arg5[%rem3A_131, %dma_start3A_132, %dma_start3A_137] : memref<4x2x64xi32, #tpu.memory_space<vmem>> -> memref<1x1x64xi32, #tpu.memory_space<vmem>>
    %dma_start3A_139 = tpu.memref_squeeze %dma_start3A_138 : memref<1x1x64xi32, #tpu.memory_space<vmem>> -> memref<64xi32, #tpu.memory_space<vmem>>
    %dma_start3A_140 = arith.constant 0 : i32
    %dma_start3A_141 = arith.constant 0 : i32
    %dma_start3A_142 = tpu.memref_slice %arg2[%dma_start3A_140, %dma_start3A_141] : memref<16384x144xf32, #tpu.memory_space<hbm>> -> memref<16384x144xf32, #tpu.memory_space<hbm>>
    %dma_start3A_143 = tpu.memref_slice %arg8[%rem3A_128] : memref<3x!tpu.dma_semaphore, #tpu.memory_space<semaphore_mem>> -> memref<1x!tpu.dma_semaphore, #tpu.memory_space<semaphore_mem>>
    %dma_start3A_144 = tpu.memref_squeeze %dma_start3A_143 : memref<1x!tpu.dma_semaphore, #tpu.memory_space<semaphore_mem>> -> memref<!tpu.dma_semaphore, #tpu.memory_space<semaphore_mem>>
    tpu.enqueue_indirect_dma source(%dma_start3A_142 : memref<16384x144xf32, #tpu.memory_space<hbm>>) target(%dma_start3A_136 : memref<64x144xf32, #tpu.memory_space<vmem>>) offsets(%dma_start3A_139 : memref<64xi32, #tpu.memory_space<vmem>>) semaphore(%dma_start3A_144 : memref<!tpu.dma_semaphore, #tpu.memory_space<semaphore_mem>>)
    %scan3A = arith.constant 0 : i32
    %scan3A_145 = arith.constant 0 : i32
    %scan3A_146 = arith.constant 158 : i32
    %scan3A_147 = arith.addi %scan3A_145, %scan3A_146 : i32
    %scan3A_148 = arith.constant 1 : i32
    scf.for %scan3A_208 = %scan3A_145 to %scan3A_147 step %scan3A_148  : i32 {
      %add3A_209 = arith.constant 1 : i32
      %add3A_210 = arith.addi %scan3A_208, %add3A_209 : i32
      %lt3A = arith.constant 158 : i32
      %lt3A_211 = arith.cmpi slt, %add3A_210, %lt3A : i32
      %convert_element_type3A = arith.extui %lt3A_211 : i1 to i32
      %cond3A = arith.constant 0 : i32
      %cond3A_212 = arith.cmpi ne, %convert_element_type3A, %cond3A : i32
      scf.if %cond3A_212 {
        %add3A_269 = arith.constant 1 : i32
        %add3A_270 = arith.addi %scan3A_208, %add3A_269 : i32
        %rem3A_271 = arith.constant 4 : i32
        %rem3A_272 = arith.remsi %add3A_270, %rem3A_271 : i32
        %rem3A_273 = arith.constant 4 : i32
        %rem3A_274 = arith.remsi %add3A_270, %rem3A_273 : i32
        %dma_wait3A_275 = arith.constant 0 : i32
        %dma_wait3A_276 = arith.constant 0 : i32
        %dma_wait3A_277 = tpu.memref_slice %arg5[%rem3A_272, %dma_wait3A_275, %dma_wait3A_276] : memref<4x2x64xi32, #tpu.memory_space<vmem>> -> memref<1x2x64xi32, #tpu.memory_space<vmem>>
        %dma_wait3A_278 = tpu.memref_squeeze %dma_wait3A_277 : memref<1x2x64xi32, #tpu.memory_space<vmem>> -> memref<2x64xi32, #tpu.memory_space<vmem>>
        %dma_wait3A_279 = arith.constant 0 : i32
        %dma_wait3A_280 = arith.constant 0 : i32
        %dma_wait3A_281 = tpu.memref_slice %arg3[%add3A, %add3A_270, %dma_wait3A_279, %dma_wait3A_280] : memref<32x158x2x64xi32, #tpu.memory_space<hbm>> -> memref<1x1x2x64xi32, #tpu.memory_space<hbm>>
        %dma_wait3A_282 = tpu.memref_squeeze %dma_wait3A_281 : memref<1x1x2x64xi32, #tpu.memory_space<hbm>> -> memref<2x64xi32, #tpu.memory_space<hbm>>
        %dma_wait3A_283 = tpu.memref_slice %arg7[%rem3A_274] : memref<4x!tpu.dma_semaphore, #tpu.memory_space<semaphore_mem>> -> memref<1x!tpu.dma_semaphore, #tpu.memory_space<semaphore_mem>>
        %dma_wait3A_284 = tpu.memref_squeeze %dma_wait3A_283 : memref<1x!tpu.dma_semaphore, #tpu.memory_space<semaphore_mem>> -> memref<!tpu.dma_semaphore, #tpu.memory_space<semaphore_mem>>
        %dma_wait3A_285 = arith.constant 0 : i32
        %dma_wait3A_286 = arith.constant 0 : i32
        %dma_wait3A_287 = tpu.memref_slice %arg5[%rem3A_272, %dma_wait3A_285, %dma_wait3A_286] : memref<4x2x64xi32, #tpu.memory_space<vmem>> -> memref<1x2x64xi32, #tpu.memory_space<vmem>>
        %dma_wait3A_288 = tpu.memref_squeeze %dma_wait3A_287 : memref<1x2x64xi32, #tpu.memory_space<vmem>> -> memref<2x64xi32, #tpu.memory_space<vmem>>
        %dma_wait3A_289 = arith.constant 0 : i32
        %dma_wait3A_290 = arith.constant 0 : i32
        %dma_wait3A_291 = tpu.memref_slice %arg3[%add3A, %add3A_270, %dma_wait3A_289, %dma_wait3A_290] : memref<32x158x2x64xi32, #tpu.memory_space<hbm>> -> memref<1x1x2x64xi32, #tpu.memory_space<hbm>>
        %dma_wait3A_292 = tpu.memref_squeeze %dma_wait3A_291 : memref<1x1x2x64xi32, #tpu.memory_space<hbm>> -> memref<2x64xi32, #tpu.memory_space<hbm>>
        tpu.wait_dma2 semaphore(%dma_wait3A_284 : memref<!tpu.dma_semaphore, #tpu.memory_space<semaphore_mem>>) src(%dma_wait3A_292 : memref<2x64xi32, #tpu.memory_space<hbm>>) dst(%dma_wait3A_288 : memref<2x64xi32, #tpu.memory_space<vmem>>)
      } else {
      }
      %add3A_213 = arith.constant 1 : i32
      %add3A_214 = arith.addi %scan3A_208, %add3A_213 : i32
      %lt3A_215 = arith.constant 158 : i32
      %lt3A_216 = arith.cmpi slt, %add3A_214, %lt3A_215 : i32
      %ge3A = arith.constant 2 : i32
      %ge3A_217 = arith.cmpi sge, %scan3A_208, %ge3A : i32
      %and3A = arith.andi %lt3A_216, %ge3A_217 : i1
      %convert_element_type3A_218 = arith.extui %and3A : i1 to i32
      %cond3A_219 = arith.constant 0 : i32
      %cond3A_220 = arith.cmpi ne, %convert_element_type3A_218, %cond3A_219 : i32
      scf.if %cond3A_220 {
        %sub3A = arith.constant 2 : i32
        %sub3A_269 = arith.subi %scan3A_208, %sub3A : i32
        %rem3A_270 = arith.constant 3 : i32
        %rem3A_271 = arith.remsi %sub3A_269, %rem3A_270 : i32
        %rem3A_272 = arith.constant 4 : i32
        %rem3A_273 = arith.remsi %sub3A_269, %rem3A_272 : i32
        %dma_wait3A_274 = arith.constant 1 : i32
        %dma_wait3A_275 = arith.constant 0 : i32
        %dma_wait3A_276 = arith.constant 0 : i32
        %dma_wait3A_277 = tpu.memref_slice %arg6[%rem3A_271, %dma_wait3A_275, %dma_wait3A_276] : memref<3x64x144xf32, #tpu.memory_space<vmem>> -> memref<1x64x144xf32, #tpu.memory_space<vmem>>
        %dma_wait3A_278 = tpu.memref_squeeze %dma_wait3A_277 : memref<1x64x144xf32, #tpu.memory_space<vmem>> -> memref<64x144xf32, #tpu.memory_space<vmem>>
        %dma_wait3A_279 = arith.constant 0 : i32
        %dma_wait3A_280 = tpu.memref_slice %arg5[%rem3A_273, %dma_wait3A_274, %dma_wait3A_279] : memref<4x2x64xi32, #tpu.memory_space<vmem>> -> memref<1x1x64xi32, #tpu.memory_space<vmem>>
        %dma_wait3A_281 = tpu.memref_squeeze %dma_wait3A_280 : memref<1x1x64xi32, #tpu.memory_space<vmem>> -> memref<64xi32, #tpu.memory_space<vmem>>
        %dma_wait3A_282 = arith.constant 0 : i32
        %dma_wait3A_283 = arith.constant 0 : i32
        %dma_wait3A_284 = tpu.memref_slice %arg10[%dma_wait3A_282, %dma_wait3A_283] : memref<10240x144xf32, #tpu.memory_space<vmem_shared>> -> memref<10240x144xf32, #tpu.memory_space<vmem_shared>>
        %dma_wait3A_285 = tpu.memref_slice %arg9[%rem3A_271] : memref<3x!tpu.dma_semaphore, #tpu.memory_space<semaphore_mem>> -> memref<1x!tpu.dma_semaphore, #tpu.memory_space<semaphore_mem>>
        %dma_wait3A_286 = tpu.memref_squeeze %dma_wait3A_285 : memref<1x!tpu.dma_semaphore, #tpu.memory_space<semaphore_mem>> -> memref<!tpu.dma_semaphore, #tpu.memory_space<semaphore_mem>>
        tpu.wait_indirect_dma semaphore(%dma_wait3A_286 : memref<!tpu.dma_semaphore, #tpu.memory_space<semaphore_mem>>) src(%dma_wait3A_278 : memref<64x144xf32, #tpu.memory_space<vmem>>) dst(%dma_wait3A_284 : memref<10240x144xf32, #tpu.memory_space<vmem_shared>>)
      } else {
      }
      %add3A_221 = arith.constant 1 : i32
      %add3A_222 = arith.addi %scan3A_208, %add3A_221 : i32
      %lt3A_223 = arith.constant 158 : i32
      %lt3A_224 = arith.cmpi slt, %add3A_222, %lt3A_223 : i32
      %convert_element_type3A_225 = arith.extui %lt3A_224 : i1 to i32
      %cond3A_226 = arith.constant 0 : i32
      %cond3A_227 = arith.cmpi ne, %convert_element_type3A_225, %cond3A_226 : i32
      scf.if %cond3A_227 {
        %add3A_269 = arith.constant 1 : i32
        %add3A_270 = arith.addi %scan3A_208, %add3A_269 : i32
        %rem3A_271 = arith.constant 3 : i32
        %rem3A_272 = arith.remsi %add3A_270, %rem3A_271 : i32
        %rem3A_273 = arith.constant 4 : i32
        %rem3A_274 = arith.remsi %add3A_270, %rem3A_273 : i32
        %dma_start3A_275 = arith.constant 0 : i32
        %dma_start3A_276 = arith.constant 0 : i32
        %dma_start3A_277 = arith.constant 0 : i32
        %dma_start3A_278 = tpu.memref_slice %arg6[%rem3A_272, %dma_start3A_276, %dma_start3A_277] : memref<3x64x144xf32, #tpu.memory_space<vmem>> -> memref<1x64x144xf32, #tpu.memory_space<vmem>>
        %dma_start3A_279 = tpu.memref_squeeze %dma_start3A_278 : memref<1x64x144xf32, #tpu.memory_space<vmem>> -> memref<64x144xf32, #tpu.memory_space<vmem>>
        %dma_start3A_280 = arith.constant 0 : i32
        %dma_start3A_281 = tpu.memref_slice %arg5[%rem3A_274, %dma_start3A_275, %dma_start3A_280] : memref<4x2x64xi32, #tpu.memory_space<vmem>> -> memref<1x1x64xi32, #tpu.memory_space<vmem>>
        %dma_start3A_282 = tpu.memref_squeeze %dma_start3A_281 : memref<1x1x64xi32, #tpu.memory_space<vmem>> -> memref<64xi32, #tpu.memory_space<vmem>>
        %dma_start3A_283 = arith.constant 0 : i32
        %dma_start3A_284 = arith.constant 0 : i32
        %dma_start3A_285 = tpu.memref_slice %arg2[%dma_start3A_283, %dma_start3A_284] : memref<16384x144xf32, #tpu.memory_space<hbm>> -> memref<16384x144xf32, #tpu.memory_space<hbm>>
        %dma_start3A_286 = tpu.memref_slice %arg8[%rem3A_272] : memref<3x!tpu.dma_semaphore, #tpu.memory_space<semaphore_mem>> -> memref<1x!tpu.dma_semaphore, #tpu.memory_space<semaphore_mem>>
        %dma_start3A_287 = tpu.memref_squeeze %dma_start3A_286 : memref<1x!tpu.dma_semaphore, #tpu.memory_space<semaphore_mem>> -> memref<!tpu.dma_semaphore, #tpu.memory_space<semaphore_mem>>
        tpu.enqueue_indirect_dma source(%dma_start3A_285 : memref<16384x144xf32, #tpu.memory_space<hbm>>) target(%dma_start3A_279 : memref<64x144xf32, #tpu.memory_space<vmem>>) offsets(%dma_start3A_282 : memref<64xi32, #tpu.memory_space<vmem>>) semaphore(%dma_start3A_287 : memref<!tpu.dma_semaphore, #tpu.memory_space<semaphore_mem>>)
      } else {
      }
      %add3A_228 = arith.constant 2 : i32
      %add3A_229 = arith.addi %scan3A_208, %add3A_228 : i32
      %lt3A_230 = arith.constant 158 : i32
      %lt3A_231 = arith.cmpi slt, %add3A_229, %lt3A_230 : i32
      %convert_element_type3A_232 = arith.extui %lt3A_231 : i1 to i32
      %cond3A_233 = arith.constant 0 : i32
      %cond3A_234 = arith.cmpi ne, %convert_element_type3A_232, %cond3A_233 : i32
      scf.if %cond3A_234 {
        %add3A_269 = arith.constant 2 : i32
        %add3A_270 = arith.addi %scan3A_208, %add3A_269 : i32
        %rem3A_271 = arith.constant 4 : i32
        %rem3A_272 = arith.remsi %add3A_270, %rem3A_271 : i32
        %rem3A_273 = arith.constant 4 : i32
        %rem3A_274 = arith.remsi %add3A_270, %rem3A_273 : i32
        %dma_start3A_275 = arith.constant 0 : i32
        %dma_start3A_276 = arith.constant 0 : i32
        %dma_start3A_277 = tpu.memref_slice %arg5[%rem3A_272, %dma_start3A_275, %dma_start3A_276] : memref<4x2x64xi32, #tpu.memory_space<vmem>> -> memref<1x2x64xi32, #tpu.memory_space<vmem>>
        %dma_start3A_278 = tpu.memref_squeeze %dma_start3A_277 : memref<1x2x64xi32, #tpu.memory_space<vmem>> -> memref<2x64xi32, #tpu.memory_space<vmem>>
        %dma_start3A_279 = arith.constant 0 : i32
        %dma_start3A_280 = arith.constant 0 : i32
        %dma_start3A_281 = tpu.memref_slice %arg3[%add3A, %add3A_270, %dma_start3A_279, %dma_start3A_280] : memref<32x158x2x64xi32, #tpu.memory_space<hbm>> -> memref<1x1x2x64xi32, #tpu.memory_space<hbm>>
        %dma_start3A_282 = tpu.memref_squeeze %dma_start3A_281 : memref<1x1x2x64xi32, #tpu.memory_space<hbm>> -> memref<2x64xi32, #tpu.memory_space<hbm>>
        %dma_start3A_283 = tpu.memref_slice %arg7[%rem3A_274] : memref<4x!tpu.dma_semaphore, #tpu.memory_space<semaphore_mem>> -> memref<1x!tpu.dma_semaphore, #tpu.memory_space<semaphore_mem>>
        %dma_start3A_284 = tpu.memref_squeeze %dma_start3A_283 : memref<1x!tpu.dma_semaphore, #tpu.memory_space<semaphore_mem>> -> memref<!tpu.dma_semaphore, #tpu.memory_space<semaphore_mem>>
        %dma_start3A_285 = arith.constant 0 : i32
        %dma_start3A_286 = arith.constant 0 : i32
        %dma_start3A_287 = tpu.memref_slice %arg5[%rem3A_272, %dma_start3A_285, %dma_start3A_286] : memref<4x2x64xi32, #tpu.memory_space<vmem>> -> memref<1x2x64xi32, #tpu.memory_space<vmem>>
        %dma_start3A_288 = tpu.memref_squeeze %dma_start3A_287 : memref<1x2x64xi32, #tpu.memory_space<vmem>> -> memref<2x64xi32, #tpu.memory_space<vmem>>
        %dma_start3A_289 = arith.constant 0 : i32
        %dma_start3A_290 = arith.constant 0 : i32
        %dma_start3A_291 = tpu.memref_slice %arg3[%add3A, %add3A_270, %dma_start3A_289, %dma_start3A_290] : memref<32x158x2x64xi32, #tpu.memory_space<hbm>> -> memref<1x1x2x64xi32, #tpu.memory_space<hbm>>
        %dma_start3A_292 = tpu.memref_squeeze %dma_start3A_291 : memref<1x1x2x64xi32, #tpu.memory_space<hbm>> -> memref<2x64xi32, #tpu.memory_space<hbm>>
        tpu.enqueue_dma source(%dma_start3A_292 : memref<2x64xi32, #tpu.memory_space<hbm>>) target(%dma_start3A_288 : memref<2x64xi32, #tpu.memory_space<vmem>>) target_semaphore(%dma_start3A_284 : memref<!tpu.dma_semaphore, #tpu.memory_space<semaphore_mem>>)
      } else {
      }
      %rem3A_235 = arith.constant 3 : i32
      %rem3A_236 = arith.remsi %scan3A_208, %rem3A_235 : i32
      %rem3A_237 = arith.constant 4 : i32
      %rem3A_238 = arith.remsi %scan3A_208, %rem3A_237 : i32
      %dma_wait3A_239 = arith.constant 0 : i32
      %dma_wait3A_240 = arith.constant 0 : i32
      %dma_wait3A_241 = arith.constant 0 : i32
      %dma_wait3A_242 = tpu.memref_slice %arg6[%rem3A_236, %dma_wait3A_240, %dma_wait3A_241] : memref<3x64x144xf32, #tpu.memory_space<vmem>> -> memref<1x64x144xf32, #tpu.memory_space<vmem>>
      %dma_wait3A_243 = tpu.memref_squeeze %dma_wait3A_242 : memref<1x64x144xf32, #tpu.memory_space<vmem>> -> memref<64x144xf32, #tpu.memory_space<vmem>>
      %dma_wait3A_244 = arith.constant 0 : i32
      %dma_wait3A_245 = tpu.memref_slice %arg5[%rem3A_238, %dma_wait3A_239, %dma_wait3A_244] : memref<4x2x64xi32, #tpu.memory_space<vmem>> -> memref<1x1x64xi32, #tpu.memory_space<vmem>>
      %dma_wait3A_246 = tpu.memref_squeeze %dma_wait3A_245 : memref<1x1x64xi32, #tpu.memory_space<vmem>> -> memref<64xi32, #tpu.memory_space<vmem>>
      %dma_wait3A_247 = arith.constant 0 : i32
      %dma_wait3A_248 = arith.constant 0 : i32
      %dma_wait3A_249 = tpu.memref_slice %arg2[%dma_wait3A_247, %dma_wait3A_248] : memref<16384x144xf32, #tpu.memory_space<hbm>> -> memref<16384x144xf32, #tpu.memory_space<hbm>>
      %dma_wait3A_250 = tpu.memref_slice %arg8[%rem3A_236] : memref<3x!tpu.dma_semaphore, #tpu.memory_space<semaphore_mem>> -> memref<1x!tpu.dma_semaphore, #tpu.memory_space<semaphore_mem>>
      %dma_wait3A_251 = tpu.memref_squeeze %dma_wait3A_250 : memref<1x!tpu.dma_semaphore, #tpu.memory_space<semaphore_mem>> -> memref<!tpu.dma_semaphore, #tpu.memory_space<semaphore_mem>>
      tpu.wait_indirect_dma semaphore(%dma_wait3A_251 : memref<!tpu.dma_semaphore, #tpu.memory_space<semaphore_mem>>) src(%dma_wait3A_249 : memref<16384x144xf32, #tpu.memory_space<hbm>>) dst(%dma_wait3A_243 : memref<64x144xf32, #tpu.memory_space<vmem>>)
      %rem3A_252 = arith.constant 3 : i32
      %rem3A_253 = arith.remsi %scan3A_208, %rem3A_252 : i32
      %rem3A_254 = arith.constant 4 : i32
      %rem3A_255 = arith.remsi %scan3A_208, %rem3A_254 : i32
      %dma_start3A_256 = arith.constant 1 : i32
      %dma_start3A_257 = arith.constant 0 : i32
      %dma_start3A_258 = arith.constant 0 : i32
      %dma_start3A_259 = tpu.memref_slice %arg6[%rem3A_253, %dma_start3A_257, %dma_start3A_258] : memref<3x64x144xf32, #tpu.memory_space<vmem>> -> memref<1x64x144xf32, #tpu.memory_space<vmem>>
      %dma_start3A_260 = tpu.memref_squeeze %dma_start3A_259 : memref<1x64x144xf32, #tpu.memory_space<vmem>> -> memref<64x144xf32, #tpu.memory_space<vmem>>
      %dma_start3A_261 = arith.constant 0 : i32
      %dma_start3A_262 = tpu.memref_slice %arg5[%rem3A_255, %dma_start3A_256, %dma_start3A_261] : memref<4x2x64xi32, #tpu.memory_space<vmem>> -> memref<1x1x64xi32, #tpu.memory_space<vmem>>
      %dma_start3A_263 = tpu.memref_squeeze %dma_start3A_262 : memref<1x1x64xi32, #tpu.memory_space<vmem>> -> memref<64xi32, #tpu.memory_space<vmem>>
      %dma_start3A_264 = arith.constant 0 : i32
      %dma_start3A_265 = arith.constant 0 : i32
      %dma_start3A_266 = tpu.memref_slice %arg10[%dma_start3A_264, %dma_start3A_265] : memref<10240x144xf32, #tpu.memory_space<vmem_shared>> -> memref<10240x144xf32, #tpu.memory_space<vmem_shared>>
      %dma_start3A_267 = tpu.memref_slice %arg9[%rem3A_253] : memref<3x!tpu.dma_semaphore, #tpu.memory_space<semaphore_mem>> -> memref<1x!tpu.dma_semaphore, #tpu.memory_space<semaphore_mem>>
      %dma_start3A_268 = tpu.memref_squeeze %dma_start3A_267 : memref<1x!tpu.dma_semaphore, #tpu.memory_space<semaphore_mem>> -> memref<!tpu.dma_semaphore, #tpu.memory_space<semaphore_mem>>
      tpu.enqueue_indirect_dma source(%dma_start3A_260 : memref<64x144xf32, #tpu.memory_space<vmem>>) target(%dma_start3A_266 : memref<10240x144xf32, #tpu.memory_space<vmem_shared>>) offsets(%dma_start3A_263 : memref<64xi32, #tpu.memory_space<vmem>>) semaphore(%dma_start3A_268 : memref<!tpu.dma_semaphore, #tpu.memory_space<semaphore_mem>>) {add = true}
    }
    %scan3A_149 = arith.constant 158 : i32
    %rem3A_150 = arith.constant 155 : i32
    %rem3A_151 = arith.constant 3 : i32
    %rem3A_152 = arith.remsi %rem3A_150, %rem3A_151 : i32
    %rem3A_153 = arith.constant 155 : i32
    %rem3A_154 = arith.constant 4 : i32
    %rem3A_155 = arith.remsi %rem3A_153, %rem3A_154 : i32
    %dma_wait3A_156 = arith.constant 1 : i32
    %dma_wait3A_157 = arith.constant 0 : i32
    %dma_wait3A_158 = arith.constant 0 : i32
    %dma_wait3A_159 = tpu.memref_slice %arg6[%rem3A_152, %dma_wait3A_157, %dma_wait3A_158] : memref<3x64x144xf32, #tpu.memory_space<vmem>> -> memref<1x64x144xf32, #tpu.memory_space<vmem>>
    %dma_wait3A_160 = tpu.memref_squeeze %dma_wait3A_159 : memref<1x64x144xf32, #tpu.memory_space<vmem>> -> memref<64x144xf32, #tpu.memory_space<vmem>>
    %dma_wait3A_161 = arith.constant 0 : i32
    %dma_wait3A_162 = tpu.memref_slice %arg5[%rem3A_155, %dma_wait3A_156, %dma_wait3A_161] : memref<4x2x64xi32, #tpu.memory_space<vmem>> -> memref<1x1x64xi32, #tpu.memory_space<vmem>>
    %dma_wait3A_163 = tpu.memref_squeeze %dma_wait3A_162 : memref<1x1x64xi32, #tpu.memory_space<vmem>> -> memref<64xi32, #tpu.memory_space<vmem>>
    %dma_wait3A_164 = arith.constant 0 : i32
    %dma_wait3A_165 = arith.constant 0 : i32
    %dma_wait3A_166 = tpu.memref_slice %arg10[%dma_wait3A_164, %dma_wait3A_165] : memref<10240x144xf32, #tpu.memory_space<vmem_shared>> -> memref<10240x144xf32, #tpu.memory_space<vmem_shared>>
    %dma_wait3A_167 = tpu.memref_slice %arg9[%rem3A_152] : memref<3x!tpu.dma_semaphore, #tpu.memory_space<semaphore_mem>> -> memref<1x!tpu.dma_semaphore, #tpu.memory_space<semaphore_mem>>
    %dma_wait3A_168 = tpu.memref_squeeze %dma_wait3A_167 : memref<1x!tpu.dma_semaphore, #tpu.memory_space<semaphore_mem>> -> memref<!tpu.dma_semaphore, #tpu.memory_space<semaphore_mem>>
    tpu.wait_indirect_dma semaphore(%dma_wait3A_168 : memref<!tpu.dma_semaphore, #tpu.memory_space<semaphore_mem>>) src(%dma_wait3A_160 : memref<64x144xf32, #tpu.memory_space<vmem>>) dst(%dma_wait3A_166 : memref<10240x144xf32, #tpu.memory_space<vmem_shared>>)
    %rem3A_169 = arith.constant 156 : i32
    %rem3A_170 = arith.constant 3 : i32
    %rem3A_171 = arith.remsi %rem3A_169, %rem3A_170 : i32
    %rem3A_172 = arith.constant 156 : i32
    %rem3A_173 = arith.constant 4 : i32
    %rem3A_174 = arith.remsi %rem3A_172, %rem3A_173 : i32
    %dma_wait3A_175 = arith.constant 1 : i32
    %dma_wait3A_176 = arith.constant 0 : i32
    %dma_wait3A_177 = arith.constant 0 : i32
    %dma_wait3A_178 = tpu.memref_slice %arg6[%rem3A_171, %dma_wait3A_176, %dma_wait3A_177] : memref<3x64x144xf32, #tpu.memory_space<vmem>> -> memref<1x64x144xf32, #tpu.memory_space<vmem>>
    %dma_wait3A_179 = tpu.memref_squeeze %dma_wait3A_178 : memref<1x64x144xf32, #tpu.memory_space<vmem>> -> memref<64x144xf32, #tpu.memory_space<vmem>>
    %dma_wait3A_180 = arith.constant 0 : i32
    %dma_wait3A_181 = tpu.memref_slice %arg5[%rem3A_174, %dma_wait3A_175, %dma_wait3A_180] : memref<4x2x64xi32, #tpu.memory_space<vmem>> -> memref<1x1x64xi32, #tpu.memory_space<vmem>>
    %dma_wait3A_182 = tpu.memref_squeeze %dma_wait3A_181 : memref<1x1x64xi32, #tpu.memory_space<vmem>> -> memref<64xi32, #tpu.memory_space<vmem>>
    %dma_wait3A_183 = arith.constant 0 : i32
    %dma_wait3A_184 = arith.constant 0 : i32
    %dma_wait3A_185 = tpu.memref_slice %arg10[%dma_wait3A_183, %dma_wait3A_184] : memref<10240x144xf32, #tpu.memory_space<vmem_shared>> -> memref<10240x144xf32, #tpu.memory_space<vmem_shared>>
    %dma_wait3A_186 = tpu.memref_slice %arg9[%rem3A_171] : memref<3x!tpu.dma_semaphore, #tpu.memory_space<semaphore_mem>> -> memref<1x!tpu.dma_semaphore, #tpu.memory_space<semaphore_mem>>
    %dma_wait3A_187 = tpu.memref_squeeze %dma_wait3A_186 : memref<1x!tpu.dma_semaphore, #tpu.memory_space<semaphore_mem>> -> memref<!tpu.dma_semaphore, #tpu.memory_space<semaphore_mem>>
    tpu.wait_indirect_dma semaphore(%dma_wait3A_187 : memref<!tpu.dma_semaphore, #tpu.memory_space<semaphore_mem>>) src(%dma_wait3A_179 : memref<64x144xf32, #tpu.memory_space<vmem>>) dst(%dma_wait3A_185 : memref<10240x144xf32, #tpu.memory_space<vmem_shared>>)
    %rem3A_188 = arith.constant 157 : i32
    %rem3A_189 = arith.constant 3 : i32
    %rem3A_190 = arith.remsi %rem3A_188, %rem3A_189 : i32
    %rem3A_191 = arith.constant 157 : i32
    %rem3A_192 = arith.constant 4 : i32
    %rem3A_193 = arith.remsi %rem3A_191, %rem3A_192 : i32
    %dma_wait3A_194 = arith.constant 1 : i32
    %dma_wait3A_195 = arith.constant 0 : i32
    %dma_wait3A_196 = arith.constant 0 : i32
    %dma_wait3A_197 = tpu.memref_slice %arg6[%rem3A_190, %dma_wait3A_195, %dma_wait3A_196] : memref<3x64x144xf32, #tpu.memory_space<vmem>> -> memref<1x64x144xf32, #tpu.memory_space<vmem>>
    %dma_wait3A_198 = tpu.memref_squeeze %dma_wait3A_197 : memref<1x64x144xf32, #tpu.memory_space<vmem>> -> memref<64x144xf32, #tpu.memory_space<vmem>>
    %dma_wait3A_199 = arith.constant 0 : i32
    %dma_wait3A_200 = tpu.memref_slice %arg5[%rem3A_193, %dma_wait3A_194, %dma_wait3A_199] : memref<4x2x64xi32, #tpu.memory_space<vmem>> -> memref<1x1x64xi32, #tpu.memory_space<vmem>>
    %dma_wait3A_201 = tpu.memref_squeeze %dma_wait3A_200 : memref<1x1x64xi32, #tpu.memory_space<vmem>> -> memref<64xi32, #tpu.memory_space<vmem>>
    %dma_wait3A_202 = arith.constant 0 : i32
    %dma_wait3A_203 = arith.constant 0 : i32
    %dma_wait3A_204 = tpu.memref_slice %arg10[%dma_wait3A_202, %dma_wait3A_203] : memref<10240x144xf32, #tpu.memory_space<vmem_shared>> -> memref<10240x144xf32, #tpu.memory_space<vmem_shared>>
    %dma_wait3A_205 = tpu.memref_slice %arg9[%rem3A_190] : memref<3x!tpu.dma_semaphore, #tpu.memory_space<semaphore_mem>> -> memref<1x!tpu.dma_semaphore, #tpu.memory_space<semaphore_mem>>
    %dma_wait3A_206 = tpu.memref_squeeze %dma_wait3A_205 : memref<1x!tpu.dma_semaphore, #tpu.memory_space<semaphore_mem>> -> memref<!tpu.dma_semaphore, #tpu.memory_space<semaphore_mem>>
    tpu.wait_indirect_dma semaphore(%dma_wait3A_206 : memref<!tpu.dma_semaphore, #tpu.memory_space<semaphore_mem>>) src(%dma_wait3A_198 : memref<64x144xf32, #tpu.memory_space<vmem>>) dst(%dma_wait3A_204 : memref<10240x144xf32, #tpu.memory_space<vmem_shared>>)
    %barrier3A_207 = arith.constant 0 : index
    tpu.barrier barrier_id(%barrier3A_207)
    "tpu.region"() ({
      %run_scoped3A_208 = tpu.sem_alloc : memref<!tpu.dma_semaphore, #tpu.memory_space<semaphore_mem>>
      %dma_start3A_209 = arith.constant 0 : i32
      %dma_start3A_210 = tpu.memref_slice %arg4[%arg0, %mul3A_2, %dma_start3A_209] : memref<2x10240x144xf32, #tpu.memory_space<hbm>> -> memref<1x640x144xf32, #tpu.memory_space<hbm>>
      %dma_start3A_211 = tpu.memref_squeeze %dma_start3A_210 : memref<1x640x144xf32, #tpu.memory_space<hbm>> -> memref<640x144xf32, #tpu.memory_space<hbm>>
      %dma_start3A_212 = arith.constant 0 : i32
      %dma_start3A_213 = tpu.memref_slice %arg10[%mul3A_2, %dma_start3A_212] : memref<10240x144xf32, #tpu.memory_space<vmem_shared>> -> memref<640x144xf32, #tpu.memory_space<vmem_shared>>
      tpu.enqueue_dma source(%dma_start3A_213 : memref<640x144xf32, #tpu.memory_space<vmem_shared>>) target(%dma_start3A_211 : memref<640x144xf32, #tpu.memory_space<hbm>>) target_semaphore(%run_scoped3A_208 : memref<!tpu.dma_semaphore, #tpu.memory_space<semaphore_mem>>)
      %dma_wait3A_214 = arith.constant 0 : i32
      %dma_wait3A_215 = tpu.memref_slice %arg4[%arg0, %mul3A_2, %dma_wait3A_214] : memref<2x10240x144xf32, #tpu.memory_space<hbm>> -> memref<1x640x144xf32, #tpu.memory_space<hbm>>
      %dma_wait3A_216 = tpu.memref_squeeze %dma_wait3A_215 : memref<1x640x144xf32, #tpu.memory_space<hbm>> -> memref<640x144xf32, #tpu.memory_space<hbm>>
      %dma_wait3A_217 = arith.constant 0 : i32
      %dma_wait3A_218 = tpu.memref_slice %arg10[%mul3A_2, %dma_wait3A_217] : memref<10240x144xf32, #tpu.memory_space<vmem_shared>> -> memref<640x144xf32, #tpu.memory_space<vmem_shared>>
      tpu.wait_dma2 semaphore(%run_scoped3A_208 : memref<!tpu.dma_semaphore, #tpu.memory_space<semaphore_mem>>) src(%dma_wait3A_218 : memref<640x144xf32, #tpu.memory_space<vmem_shared>>) dst(%dma_wait3A_216 : memref<640x144xf32, #tpu.memory_space<hbm>>)
      tpu.yield
    }) : () -> ()
    return
  }
}

module attributes {stable_mosaic.version = 14 : i64} {
  func.func @_ka_body(%arg0: i32, %arg1: memref<512x128xf32, #tpu.memory_space<vmem>>, %arg2: memref<1x1x512xi32, #tpu.memory_space<vmem>>, %arg3: memref<2x128xf32, #tpu.memory_space<vmem>>, %arg4: memref<128x128xf32, #tpu.memory_space<vmem>>, %arg5: memref<1x128xf32, #tpu.memory_space<vmem>>, %arg6: memref<128x128xf32, #tpu.memory_space<vmem>>, %arg7: memref<1x128xf32, #tpu.memory_space<vmem>>, %arg8: memref<1x128xf32, #tpu.memory_space<vmem>>, %arg9: memref<1x128xf32, #tpu.memory_space<vmem>>, %arg10: memref<16x128xf32, #tpu.memory_space<vmem>>, %arg11: memref<128x128xf32, #tpu.memory_space<vmem>>, %arg12: memref<128x128xf32, #tpu.memory_space<vmem>>, %arg13: memref<1x128xf32, #tpu.memory_space<vmem>>, %arg14: memref<128x128xf32, #tpu.memory_space<vmem>>, %arg15: memref<1x128xf32, #tpu.memory_space<vmem>>, %arg16: memref<128x128xf32, #tpu.memory_space<vmem>>, %arg17: memref<128x128xf32, #tpu.memory_space<vmem>>, %arg18: memref<1x128xf32, #tpu.memory_space<vmem>>, %arg19: memref<1x128xf32, #tpu.memory_space<vmem>>, %arg20: memref<128x128xf32, #tpu.memory_space<vmem>>, %arg21: memref<1x128xf32, #tpu.memory_space<vmem>>, %arg22: memref<128x128xf32, #tpu.memory_space<vmem>>, %arg23: memref<128x128xf32, #tpu.memory_space<vmem>>, %arg24: memref<512x144xf32, #tpu.memory_space<vmem>>, %arg25: memref<1x1x128xf32, #tpu.memory_space<vmem>>, %arg26: memref<1x1x128xf32, #tpu.memory_space<vmem>>) attributes {dimension_semantics = [#tpu.dimension_semantics<arbitrary>], iteration_bounds = array<i64: 32>, scalar_prefetch = 0 : i64, scratch_operands = 0 : i64, tpu.core_type = #tpu.core_type<tc>, window_params = [{transform_indices = @transform_0, window_bounds = array<i64: 512, 128>}, {transform_indices = @transform_1, window_bounds = array<i64: 1, 1, 512>}, {pipeline_mode = #tpu.pipeline_mode<synchronous>, transform_indices = @transform_2, window_bounds = array<i64: 2, 128>}, {pipeline_mode = #tpu.pipeline_mode<synchronous>, transform_indices = @transform_3, window_bounds = array<i64: 128, 128>}, {pipeline_mode = #tpu.pipeline_mode<synchronous>, transform_indices = @transform_4, window_bounds = array<i64: 1, 128>}, {pipeline_mode = #tpu.pipeline_mode<synchronous>, transform_indices = @transform_5, window_bounds = array<i64: 128, 128>}, {pipeline_mode = #tpu.pipeline_mode<synchronous>, transform_indices = @transform_6, window_bounds = array<i64: 1, 128>}, {pipeline_mode = #tpu.pipeline_mode<synchronous>, transform_indices = @transform_7, window_bounds = array<i64: 1, 128>}, {pipeline_mode = #tpu.pipeline_mode<synchronous>, transform_indices = @transform_8, window_bounds = array<i64: 1, 128>}, {pipeline_mode = #tpu.pipeline_mode<synchronous>, transform_indices = @transform_9, window_bounds = array<i64: 16, 128>}, {pipeline_mode = #tpu.pipeline_mode<synchronous>, transform_indices = @transform_10, window_bounds = array<i64: 128, 128>}, {pipeline_mode = #tpu.pipeline_mode<synchronous>, transform_indices = @transform_11, window_bounds = array<i64: 128, 128>}, {pipeline_mode = #tpu.pipeline_mode<synchronous>, transform_indices = @transform_12, window_bounds = array<i64: 1, 128>}, {pipeline_mode = #tpu.pipeline_mode<synchronous>, transform_indices = @transform_13, window_bounds = array<i64: 128, 128>}, {pipeline_mode = #tpu.pipeline_mode<synchronous>, transform_indices = @transform_14, window_bounds = array<i64: 1, 128>}, {pipeline_mode = #tpu.pipeline_mode<synchronous>, transform_indices = @transform_15, window_bounds = array<i64: 128, 128>}, {pipeline_mode = #tpu.pipeline_mode<synchronous>, transform_indices = @transform_16, window_bounds = array<i64: 128, 128>}, {pipeline_mode = #tpu.pipeline_mode<synchronous>, transform_indices = @transform_17, window_bounds = array<i64: 1, 128>}, {pipeline_mode = #tpu.pipeline_mode<synchronous>, transform_indices = @transform_18, window_bounds = array<i64: 1, 128>}, {pipeline_mode = #tpu.pipeline_mode<synchronous>, transform_indices = @transform_19, window_bounds = array<i64: 128, 128>}, {pipeline_mode = #tpu.pipeline_mode<synchronous>, transform_indices = @transform_20, window_bounds = array<i64: 1, 128>}, {pipeline_mode = #tpu.pipeline_mode<synchronous>, transform_indices = @transform_21, window_bounds = array<i64: 128, 128>}, {pipeline_mode = #tpu.pipeline_mode<synchronous>, transform_indices = @transform_22, window_bounds = array<i64: 128, 128>}, {transform_indices = @transform_23, window_bounds = array<i64: 512, 144>}, {transform_indices = @transform_24, window_bounds = array<i64: 1, 1, 128>}, {transform_indices = @transform_25, window_bounds = array<i64: 1, 1, 128>}]} {
    %get3A = arith.constant 0 : index
    %get3A_0 = arith.constant 0 : index
    %get3A_1 = vector.load %arg1[%get3A, %get3A_0] : memref<512x128xf32, #tpu.memory_space<vmem>>, vector<512x128xf32>
    %get3A_2 = arith.constant 0 : index
    %get3A_3 = arith.constant 0 : index
    %get3A_4 = vector.load %arg3[%get3A_2, %get3A_3] : memref<2x128xf32, #tpu.memory_space<vmem>>, vector<2x128xf32>
    %get3A_5 = arith.constant 0 : index
    %get3A_6 = arith.constant 0 : index
    %get3A_7 = vector.load %arg4[%get3A_5, %get3A_6] : memref<128x128xf32, #tpu.memory_space<vmem>>, vector<128x128xf32>
    %dot_general3A = arith.constant dense<0.000000e+00> : vector<2x128xf32>
    %dot_general3A_8 = tpu.matmul %get3A_4, %get3A_7, %dot_general3A {dimension_numbers = #tpu.dot_dimension_numbers<[1], [0], [0], [1], [0, 0, 1, 1], [], []>, transpose_lhs_hint = false} : vector<2x128xf32>, vector<128x128xf32>, vector<2x128xf32> -> vector<2x128xf32>
    %get3A_9 = arith.constant 0 : index
    %get3A_10 = arith.constant 0 : index
    %get3A_11 = vector.load %arg5[%get3A_9, %get3A_10] : memref<1x128xf32, #tpu.memory_space<vmem>>, vector<1x128xf32>
    %add3A = vector.broadcast %get3A_11 : vector<1x128xf32> to vector<2x128xf32>
    %add3A_12 = arith.addf %dot_general3A_8, %add3A : vector<2x128xf32>
    %max3A = arith.constant 0.000000e+00 : f32
    %max3A_13 = vector.broadcast %max3A : f32 to vector<2x128xf32>
    %max3A_14 = arith.maximumf %add3A_12, %max3A_13 : vector<2x128xf32>
    %get3A_15 = arith.constant 0 : index
    %get3A_16 = arith.constant 0 : index
    %get3A_17 = vector.load %arg6[%get3A_15, %get3A_16] : memref<128x128xf32, #tpu.memory_space<vmem>>, vector<128x128xf32>
    %dot_general3A_18 = arith.constant dense<0.000000e+00> : vector<2x128xf32>
    %dot_general3A_19 = tpu.matmul %max3A_14, %get3A_17, %dot_general3A_18 {dimension_numbers = #tpu.dot_dimension_numbers<[1], [0], [0], [1], [0, 0, 1, 1], [], []>, transpose_lhs_hint = false} : vector<2x128xf32>, vector<128x128xf32>, vector<2x128xf32> -> vector<2x128xf32>
    %get3A_20 = arith.constant 0 : index
    %get3A_21 = arith.constant 0 : index
    %get3A_22 = vector.load %arg7[%get3A_20, %get3A_21] : memref<1x128xf32, #tpu.memory_space<vmem>>, vector<1x128xf32>
    %add3A_23 = vector.broadcast %get3A_22 : vector<1x128xf32> to vector<2x128xf32>
    %add3A_24 = arith.addf %dot_general3A_19, %add3A_23 : vector<2x128xf32>
    %slice3A = vector.extract_strided_slice %add3A_24 {offsets = [0, 0], sizes = [1, 128], strides = [1, 1]} : vector<2x128xf32> to vector<1x128xf32>
    %slice3A_25 = vector.extract_strided_slice %add3A_24 {offsets = [1, 0], sizes = [1, 128], strides = [1, 1]} : vector<2x128xf32> to vector<1x128xf32>
    %reduce_sum3A = arith.constant dense<0.000000e+00> : vector<512xf32>
    %reduce_sum3A_26 = vector.multi_reduction <add>, %get3A_1, %reduce_sum3A [1] : vector<512x128xf32> to vector<512xf32>
    %broadcast_in_dim3A = vector.shape_cast %reduce_sum3A_26 : vector<512xf32> to vector<512x1xf32>
    %div3A = arith.constant 1.280000e+02 : f32
    %div3A_27 = vector.broadcast %div3A : f32 to vector<512x1xf32>
    %div3A_28 = arith.divf %broadcast_in_dim3A, %div3A_27 : vector<512x1xf32>
    %sub3A = vector.broadcast %div3A_28 : vector<512x1xf32> to vector<512x128xf32>
    %sub3A_29 = arith.subf %get3A_1, %sub3A : vector<512x128xf32>
    %mul3A = arith.mulf %sub3A_29, %sub3A_29 : vector<512x128xf32>
    %reduce_sum3A_30 = arith.constant dense<0.000000e+00> : vector<512xf32>
    %reduce_sum3A_31 = vector.multi_reduction <add>, %mul3A, %reduce_sum3A_30 [1] : vector<512x128xf32> to vector<512xf32>
    %broadcast_in_dim3A_32 = vector.shape_cast %reduce_sum3A_31 : vector<512xf32> to vector<512x1xf32>
    %div3A_33 = arith.constant 1.280000e+02 : f32
    %div3A_34 = vector.broadcast %div3A_33 : f32 to vector<512x1xf32>
    %div3A_35 = arith.divf %broadcast_in_dim3A_32, %div3A_34 : vector<512x1xf32>
    %add3A_36 = arith.constant 9.99999974E-6 : f32
    %add3A_37 = vector.broadcast %add3A_36 : f32 to vector<512x1xf32>
    %add3A_38 = arith.addf %div3A_35, %add3A_37 : vector<512x1xf32>
    %rsqrt3A = math.rsqrt %add3A_38 : vector<512x1xf32>
    %mul3A_39 = vector.broadcast %rsqrt3A : vector<512x1xf32> to vector<512x128xf32>
    %mul3A_40 = arith.mulf %sub3A_29, %mul3A_39 : vector<512x128xf32>
    %get3A_41 = arith.constant 0 : index
    %get3A_42 = arith.constant 0 : index
    %get3A_43 = vector.load %arg8[%get3A_41, %get3A_42] : memref<1x128xf32, #tpu.memory_space<vmem>>, vector<1x128xf32>
    %mul3A_44 = vector.broadcast %get3A_43 : vector<1x128xf32> to vector<512x128xf32>
    %mul3A_45 = arith.mulf %mul3A_40, %mul3A_44 : vector<512x128xf32>
    %get3A_46 = arith.constant 0 : index
    %get3A_47 = arith.constant 0 : index
    %get3A_48 = vector.load %arg9[%get3A_46, %get3A_47] : memref<1x128xf32, #tpu.memory_space<vmem>>, vector<1x128xf32>
    %add3A_49 = vector.broadcast %get3A_48 : vector<1x128xf32> to vector<512x128xf32>
    %add3A_50 = arith.addf %mul3A_45, %add3A_49 : vector<512x128xf32>
    %get3A_51 = arith.constant 0 : index
    %get3A_52 = arith.constant 0 : index
    %get3A_53 = arith.constant 0 : index
    %get3A_54 = vector.load %arg2[%get3A_51, %get3A_52, %get3A_53] : memref<1x1x512xi32, #tpu.memory_space<vmem>>, vector<1x1x512xi32>
    %get3A_55 = vector.shape_cast %get3A_54 : vector<1x1x512xi32> to vector<512xi32>
    %broadcast_in_dim3A_56 = vector.shape_cast %get3A_55 : vector<512xi32> to vector<512x1xi32>
    %iota3A = tpu.iota {dimensions = array<i32: 1>} : vector<512x16xi32>
    %eq3A = vector.broadcast %broadcast_in_dim3A_56 : vector<512x1xi32> to vector<512x16xi32>
    %eq3A_57 = arith.cmpi eq, %eq3A, %iota3A : vector<512x16xi32>
    %convert_element_type3A = arith.extui %eq3A_57 : vector<512x16xi1> to vector<512x16xi32>
    %convert_element_type3A_58 = arith.sitofp %convert_element_type3A : vector<512x16xi32> to vector<512x16xf32>
    %get3A_59 = arith.constant 0 : index
    %get3A_60 = arith.constant 0 : index
    %get3A_61 = vector.load %arg10[%get3A_59, %get3A_60] : memref<16x128xf32, #tpu.memory_space<vmem>>, vector<16x128xf32>
    %dot_general3A_62 = arith.constant dense<0.000000e+00> : vector<512x128xf32>
    %dot_general3A_63 = tpu.matmul %convert_element_type3A_58, %get3A_61, %dot_general3A_62 {dimension_numbers = #tpu.dot_dimension_numbers<[1], [0], [0], [1], [0, 0, 1, 1], [], []>, transpose_lhs_hint = false} : vector<512x16xf32>, vector<16x128xf32>, vector<512x128xf32> -> vector<512x128xf32>
    %get3A_64 = arith.constant 0 : index
    %get3A_65 = arith.constant 0 : index
    %get3A_66 = vector.load %arg11[%get3A_64, %get3A_65] : memref<128x128xf32, #tpu.memory_space<vmem>>, vector<128x128xf32>
    %dot_general3A_67 = arith.constant dense<0.000000e+00> : vector<512x128xf32>
    %dot_general3A_68 = tpu.matmul %add3A_50, %get3A_66, %dot_general3A_67 {dimension_numbers = #tpu.dot_dimension_numbers<[1], [0], [0], [1], [0, 0, 1, 1], [], []>, transpose_lhs_hint = false} : vector<512x128xf32>, vector<128x128xf32>, vector<512x128xf32> -> vector<512x128xf32>
    %get3A_69 = arith.constant 0 : index
    %get3A_70 = arith.constant 0 : index
    %get3A_71 = vector.load %arg12[%get3A_69, %get3A_70] : memref<128x128xf32, #tpu.memory_space<vmem>>, vector<128x128xf32>
    %dot_general3A_72 = arith.constant dense<0.000000e+00> : vector<512x128xf32>
    %dot_general3A_73 = tpu.matmul %dot_general3A_63, %get3A_71, %dot_general3A_72 {dimension_numbers = #tpu.dot_dimension_numbers<[1], [0], [0], [1], [0, 0, 1, 1], [], []>, transpose_lhs_hint = false} : vector<512x128xf32>, vector<128x128xf32>, vector<512x128xf32> -> vector<512x128xf32>
    %add3A_74 = arith.addf %dot_general3A_68, %dot_general3A_73 : vector<512x128xf32>
    %get3A_75 = arith.constant 0 : index
    %get3A_76 = arith.constant 0 : index
    %get3A_77 = vector.load %arg13[%get3A_75, %get3A_76] : memref<1x128xf32, #tpu.memory_space<vmem>>, vector<1x128xf32>
    %add3A_78 = vector.broadcast %get3A_77 : vector<1x128xf32> to vector<512x128xf32>
    %add3A_79 = arith.addf %add3A_74, %add3A_78 : vector<512x128xf32>
    %max3A_80 = arith.constant 0.000000e+00 : f32
    %max3A_81 = vector.broadcast %max3A_80 : f32 to vector<512x128xf32>
    %max3A_82 = arith.maximumf %add3A_79, %max3A_81 : vector<512x128xf32>
    %get3A_83 = arith.constant 0 : index
    %get3A_84 = arith.constant 0 : index
    %get3A_85 = vector.load %arg14[%get3A_83, %get3A_84] : memref<128x128xf32, #tpu.memory_space<vmem>>, vector<128x128xf32>
    %dot_general3A_86 = arith.constant dense<0.000000e+00> : vector<512x128xf32>
    %dot_general3A_87 = tpu.matmul %max3A_82, %get3A_85, %dot_general3A_86 {dimension_numbers = #tpu.dot_dimension_numbers<[1], [0], [0], [1], [0, 0, 1, 1], [], []>, transpose_lhs_hint = false} : vector<512x128xf32>, vector<128x128xf32>, vector<512x128xf32> -> vector<512x128xf32>
    %add3A_88 = arith.addf %get3A_1, %dot_general3A_87 : vector<512x128xf32>
    %get3A_89 = arith.constant 0 : index
    %get3A_90 = arith.constant 0 : index
    %get3A_91 = vector.load %arg15[%get3A_89, %get3A_90] : memref<1x128xf32, #tpu.memory_space<vmem>>, vector<1x128xf32>
    %add3A_92 = vector.broadcast %get3A_91 : vector<1x128xf32> to vector<512x128xf32>
    %add3A_93 = arith.addf %add3A_88, %add3A_92 : vector<512x128xf32>
    %get3A_94 = arith.constant 0 : index
    %get3A_95 = arith.constant 0 : index
    %get3A_96 = vector.load %arg16[%get3A_94, %get3A_95] : memref<128x128xf32, #tpu.memory_space<vmem>>, vector<128x128xf32>
    %dot_general3A_97 = arith.constant dense<0.000000e+00> : vector<512x128xf32>
    %dot_general3A_98 = tpu.matmul %add3A_93, %get3A_96, %dot_general3A_97 {dimension_numbers = #tpu.dot_dimension_numbers<[1], [0], [0], [1], [0, 0, 1, 1], [], []>, transpose_lhs_hint = false} : vector<512x128xf32>, vector<128x128xf32>, vector<512x128xf32> -> vector<512x128xf32>
    %get3A_99 = arith.constant 0 : index
    %get3A_100 = arith.constant 0 : index
    %get3A_101 = vector.load %arg18[%get3A_99, %get3A_100] : memref<1x128xf32, #tpu.memory_space<vmem>>, vector<1x128xf32>
    %add3A_102 = vector.broadcast %get3A_101 : vector<1x128xf32> to vector<512x128xf32>
    %add3A_103 = arith.addf %dot_general3A_98, %add3A_102 : vector<512x128xf32>
    %get3A_104 = arith.constant 0 : index
    %get3A_105 = arith.constant 0 : index
    %get3A_106 = vector.load %arg17[%get3A_104, %get3A_105] : memref<128x128xf32, #tpu.memory_space<vmem>>, vector<128x128xf32>
    %dot_general3A_107 = arith.constant dense<0.000000e+00> : vector<512x128xf32>
    %dot_general3A_108 = tpu.matmul %add3A_93, %get3A_106, %dot_general3A_107 {dimension_numbers = #tpu.dot_dimension_numbers<[1], [0], [0], [1], [0, 0, 1, 1], [], []>, transpose_lhs_hint = false} : vector<512x128xf32>, vector<128x128xf32>, vector<512x128xf32> -> vector<512x128xf32>
    %get3A_109 = arith.constant 0 : index
    %get3A_110 = arith.constant 0 : index
    %get3A_111 = vector.load %arg19[%get3A_109, %get3A_110] : memref<1x128xf32, #tpu.memory_space<vmem>>, vector<1x128xf32>
    %add3A_112 = vector.broadcast %get3A_111 : vector<1x128xf32> to vector<512x128xf32>
    %add3A_113 = arith.addf %dot_general3A_108, %add3A_112 : vector<512x128xf32>
    %get3A_114 = arith.constant 0 : index
    %get3A_115 = arith.constant 0 : index
    %get3A_116 = vector.load %arg20[%get3A_114, %get3A_115] : memref<128x128xf32, #tpu.memory_space<vmem>>, vector<128x128xf32>
    %dot_general3A_117 = arith.constant dense<0.000000e+00> : vector<512x128xf32>
    %dot_general3A_118 = tpu.matmul %add3A_93, %get3A_116, %dot_general3A_117 {dimension_numbers = #tpu.dot_dimension_numbers<[1], [0], [0], [1], [0, 0, 1, 1], [], []>, transpose_lhs_hint = false} : vector<512x128xf32>, vector<128x128xf32>, vector<512x128xf32> -> vector<512x128xf32>
    %get3A_119 = arith.constant 0 : index
    %get3A_120 = arith.constant 0 : index
    %get3A_121 = vector.load %arg21[%get3A_119, %get3A_120] : memref<1x128xf32, #tpu.memory_space<vmem>>, vector<1x128xf32>
    %add3A_122 = vector.broadcast %get3A_121 : vector<1x128xf32> to vector<512x128xf32>
    %add3A_123 = arith.addf %dot_general3A_118, %add3A_122 : vector<512x128xf32>
    %mul3A_124 = vector.broadcast %slice3A_25 : vector<1x128xf32> to vector<512x128xf32>
    %mul3A_125 = arith.mulf %add3A_113, %mul3A_124 : vector<512x128xf32>
    %get3A_126 = arith.constant 0 : index
    %get3A_127 = arith.constant 0 : index
    %get3A_128 = vector.load %arg22[%get3A_126, %get3A_127] : memref<128x128xf32, #tpu.memory_space<vmem>>, vector<128x128xf32>
    %dot_general3A_129 = arith.constant dense<0.000000e+00> : vector<512x128xf32>
    %dot_general3A_130 = tpu.matmul %mul3A_125, %get3A_128, %dot_general3A_129 {dimension_numbers = #tpu.dot_dimension_numbers<[1], [0], [0], [1], [0, 0, 1, 1], [], []>, transpose_lhs_hint = false} : vector<512x128xf32>, vector<128x128xf32>, vector<512x128xf32> -> vector<512x128xf32>
    %ge3A = arith.constant 0.000000e+00 : f32
    %ge3A_131 = vector.broadcast %ge3A : f32 to vector<512x128xf32>
    %ge3A_132 = arith.cmpf oge, %dot_general3A_130, %ge3A_131 : vector<512x128xf32>
    %mul3A_133 = arith.constant 2.000000e-01 : f32
    %mul3A_134 = vector.broadcast %mul3A_133 : f32 to vector<512x128xf32>
    %mul3A_135 = arith.mulf %mul3A_134, %dot_general3A_130 : vector<512x128xf32>
    %select_n3A = arith.select %ge3A_132, %dot_general3A_130, %mul3A_135 : vector<512x128xi1>, vector<512x128xf32>
    %exp3A = math.exp %select_n3A : vector<512x128xf32>
    %mul3A_136 = vector.broadcast %slice3A : vector<1x128xf32> to vector<512x128xf32>
    %mul3A_137 = arith.mulf %add3A_103, %mul3A_136 : vector<512x128xf32>
    %get3A_138 = arith.constant 0 : index
    %get3A_139 = arith.constant 0 : index
    %get3A_140 = vector.load %arg22[%get3A_138, %get3A_139] : memref<128x128xf32, #tpu.memory_space<vmem>>, vector<128x128xf32>
    %dot_general3A_141 = arith.constant dense<0.000000e+00> : vector<512x128xf32>
    %dot_general3A_142 = tpu.matmul %mul3A_137, %get3A_140, %dot_general3A_141 {dimension_numbers = #tpu.dot_dimension_numbers<[1], [0], [0], [1], [0, 0, 1, 1], [], []>, transpose_lhs_hint = false} : vector<512x128xf32>, vector<128x128xf32>, vector<512x128xf32> -> vector<512x128xf32>
    %mul3A_143 = arith.constant 2.500000e-01 : f32
    %mul3A_144 = vector.broadcast %mul3A_143 : f32 to vector<512x128xf32>
    %mul3A_145 = arith.mulf %dot_general3A_142, %mul3A_144 : vector<512x128xf32>
    %exp3A_146 = math.exp %mul3A_145 : vector<512x128xf32>
    %mul3A_147 = arith.constant 512 : i32
    %mul3A_148 = arith.muli %arg0, %mul3A_147 : i32
    %iota3A_149 = tpu.iota {dimensions = array<i32: 0>} : vector<512x1xi32>
    %add3A_150 = vector.broadcast %mul3A_148 : i32 to vector<512x1xi32>
    %add3A_151 = arith.addi %add3A_150, %iota3A_149 : vector<512x1xi32>
    %lt3A = arith.constant 15000 : i32
    %lt3A_152 = vector.broadcast %lt3A : i32 to vector<512x1xi32>
    %lt3A_153 = arith.cmpi slt, %add3A_151, %lt3A_152 : vector<512x1xi32>
    %jit3A = arith.constant 0.000000e+00 : f32
    %broadcast_in_dim3A_154 = vector.shape_cast %lt3A_153 : vector<512x1xi1> to vector<512x1xi1>
    %broadcast_in_dim3A_155 = vector.broadcast %broadcast_in_dim3A_154 : vector<512x1xi1> to vector<512x128xi1>
    %broadcast_in_dim3A_156 = vector.broadcast %jit3A : f32 to vector<512x128xf32>
    %select_n3A_157 = arith.select %broadcast_in_dim3A_155, %exp3A_146, %broadcast_in_dim3A_156 : vector<512x128xi1>, vector<512x128xf32>
    %get3A_158 = arith.constant 0 : index
    %get3A_159 = arith.constant 0 : index
    %get3A_160 = vector.load %arg23[%get3A_158, %get3A_159] : memref<128x128xf32, #tpu.memory_space<vmem>>, vector<128x128xf32>
    %dot_general3A_161 = arith.constant dense<0.000000e+00> : vector<512x128xf32>
    %dot_general3A_162 = tpu.matmul %select_n3A_157, %get3A_160, %dot_general3A_161 {dimension_numbers = #tpu.dot_dimension_numbers<[1], [0], [0], [1], [0, 0, 1, 1], [], []>, transpose_lhs_hint = false} : vector<512x128xf32>, vector<128x128xf32>, vector<512x128xf32> -> vector<512x128xf32>
    %mul3A_163 = arith.mulf %dot_general3A_162, %add3A_123 : vector<512x128xf32>
    %reduce_sum3A_164 = arith.constant dense<0.000000e+00> : vector<128xf32>
    %reduce_sum3A_165 = vector.multi_reduction <add>, %mul3A_163, %reduce_sum3A_164 [0] : vector<512x128xf32> to vector<128xf32>
    %broadcast_in_dim3A_166 = vector.shape_cast %reduce_sum3A_165 : vector<128xf32> to vector<1x128xf32>
    %broadcast_in_dim3A_167 = vector.shape_cast %broadcast_in_dim3A_166 : vector<1x128xf32> to vector<1x1x128xf32>
    %swap3A = arith.constant 0 : index
    %swap3A_168 = arith.constant 0 : index
    %swap3A_169 = arith.constant 0 : index
    %swap3A_170 = vector.load %arg25[%swap3A, %swap3A_168, %swap3A_169] : memref<1x1x128xf32, #tpu.memory_space<vmem>>, vector<1x1x128xf32>
    tpu.vector_store %arg25[%swap3A, %swap3A_168, %swap3A_169], %broadcast_in_dim3A_167 {strides = array<i32>} : memref<1x1x128xf32, #tpu.memory_space<vmem>>, vector<1x1x128xf32>,
    %reduce_sum3A_171 = arith.constant dense<0.000000e+00> : vector<128xf32>
    %reduce_sum3A_172 = vector.multi_reduction <add>, %dot_general3A_162, %reduce_sum3A_171 [0] : vector<512x128xf32> to vector<128xf32>
    %broadcast_in_dim3A_173 = vector.shape_cast %reduce_sum3A_172 : vector<128xf32> to vector<1x128xf32>
    %broadcast_in_dim3A_174 = vector.shape_cast %broadcast_in_dim3A_173 : vector<1x128xf32> to vector<1x1x128xf32>
    %swap3A_175 = arith.constant 0 : index
    %swap3A_176 = arith.constant 0 : index
    %swap3A_177 = arith.constant 0 : index
    %swap3A_178 = vector.load %arg26[%swap3A_175, %swap3A_176, %swap3A_177] : memref<1x1x128xf32, #tpu.memory_space<vmem>>, vector<1x1x128xf32>
    tpu.vector_store %arg26[%swap3A_175, %swap3A_176, %swap3A_177], %broadcast_in_dim3A_174 {strides = array<i32>} : memref<1x1x128xf32, #tpu.memory_space<vmem>>, vector<1x1x128xf32>,
    %get3A_179 = arith.constant 0 : index
    %get3A_180 = arith.constant 0 : index
    %get3A_181 = vector.load %arg23[%get3A_179, %get3A_180] : memref<128x128xf32, #tpu.memory_space<vmem>>, vector<128x128xf32>
    %dot_general3A_182 = arith.constant dense<0.000000e+00> : vector<512x128xf32>
    %dot_general3A_183 = tpu.matmul %exp3A, %get3A_181, %dot_general3A_182 {dimension_numbers = #tpu.dot_dimension_numbers<[1], [0], [0], [1], [0, 0, 1, 1], [], []>, transpose_lhs_hint = false} : vector<512x128xf32>, vector<128x128xf32>, vector<512x128xf32> -> vector<512x128xf32>
    %mul3A_184 = arith.mulf %add3A_123, %dot_general3A_183 : vector<512x128xf32>
    %slice3A_185 = vector.extract_strided_slice %exp3A {offsets = [0, 0], sizes = [512, 8], strides = [1, 1]} : vector<512x128xf32> to vector<512x8xf32>
    %broadcast_in_dim3A_186 = arith.constant 0.000000e+00 : f32
    %broadcast_in_dim3A_187 = vector.broadcast %broadcast_in_dim3A_186 : f32 to vector<512x8xf32>
    %concatenate3A = tpu.concatenate %mul3A_184, %slice3A_185, %broadcast_in_dim3A_187 in 1 : vector<512x128xf32>, vector<512x8xf32>, vector<512x8xf32> -> vector<512x144xf32>
    %swap3A_188 = arith.constant 0 : index
    %swap3A_189 = arith.constant 0 : index
    %swap3A_190 = vector.load %arg24[%swap3A_188, %swap3A_189] : memref<512x144xf32, #tpu.memory_space<vmem>>, vector<512x144xf32>
    tpu.vector_store %arg24[%swap3A_188, %swap3A_189], %concatenate3A {strides = array<i32>} : memref<512x144xf32, #tpu.memory_space<vmem>>, vector<512x144xf32>,
    return
  }
  func.func @transform_0(%arg0: i32) -> (i32, i32) {
    %c0_i32 = arith.constant 0 : i32
    %c0_i32_0 = arith.constant 0 : i32
    return %arg0, %c0_i32 : i32, i32
  }
  func.func @transform_1(%arg0: i32) -> (i32, i32, i32) {
    %c0_i32 = arith.constant 0 : i32
    %c0_i32_0 = arith.constant 0 : i32
    %c0_i32_1 = arith.constant 0 : i32
    return %arg0, %c0_i32, %c0_i32_0 : i32, i32, i32
  }
  func.func @transform_2(%arg0: i32) -> (i32, i32) {
    %c0_i32 = arith.constant 0 : i32
    %c0_i32_0 = arith.constant 0 : i32
    %c0_i32_1 = arith.constant 0 : i32
    return %c0_i32, %c0_i32_0 : i32, i32
  }
  func.func @transform_3(%arg0: i32) -> (i32, i32) {
    %c0_i32 = arith.constant 0 : i32
    %c0_i32_0 = arith.constant 0 : i32
    %c0_i32_1 = arith.constant 0 : i32
    return %c0_i32, %c0_i32_0 : i32, i32
  }
  func.func @transform_4(%arg0: i32) -> (i32, i32) {
    %c0_i32 = arith.constant 0 : i32
    %c0_i32_0 = arith.constant 0 : i32
    %c0_i32_1 = arith.constant 0 : i32
    return %c0_i32, %c0_i32_0 : i32, i32
  }
  func.func @transform_5(%arg0: i32) -> (i32, i32) {
    %c0_i32 = arith.constant 0 : i32
    %c0_i32_0 = arith.constant 0 : i32
    %c0_i32_1 = arith.constant 0 : i32
    return %c0_i32, %c0_i32_0 : i32, i32
  }
  func.func @transform_6(%arg0: i32) -> (i32, i32) {
    %c0_i32 = arith.constant 0 : i32
    %c0_i32_0 = arith.constant 0 : i32
    %c0_i32_1 = arith.constant 0 : i32
    return %c0_i32, %c0_i32_0 : i32, i32
  }
  func.func @transform_7(%arg0: i32) -> (i32, i32) {
    %c0_i32 = arith.constant 0 : i32
    %c0_i32_0 = arith.constant 0 : i32
    %c0_i32_1 = arith.constant 0 : i32
    return %c0_i32, %c0_i32_0 : i32, i32
  }
  func.func @transform_8(%arg0: i32) -> (i32, i32) {
    %c0_i32 = arith.constant 0 : i32
    %c0_i32_0 = arith.constant 0 : i32
    %c0_i32_1 = arith.constant 0 : i32
    return %c0_i32, %c0_i32_0 : i32, i32
  }
  func.func @transform_9(%arg0: i32) -> (i32, i32) {
    %c0_i32 = arith.constant 0 : i32
    %c0_i32_0 = arith.constant 0 : i32
    %c0_i32_1 = arith.constant 0 : i32
    return %c0_i32, %c0_i32_0 : i32, i32
  }
  func.func @transform_10(%arg0: i32) -> (i32, i32) {
    %c0_i32 = arith.constant 0 : i32
    %c0_i32_0 = arith.constant 0 : i32
    %c0_i32_1 = arith.constant 0 : i32
    return %c0_i32, %c0_i32_0 : i32, i32
  }
  func.func @transform_11(%arg0: i32) -> (i32, i32) {
    %c0_i32 = arith.constant 0 : i32
    %c0_i32_0 = arith.constant 0 : i32
    %c0_i32_1 = arith.constant 0 : i32
    return %c0_i32, %c0_i32_0 : i32, i32
  }
  func.func @transform_12(%arg0: i32) -> (i32, i32) {
    %c0_i32 = arith.constant 0 : i32
    %c0_i32_0 = arith.constant 0 : i32
    %c0_i32_1 = arith.constant 0 : i32
    return %c0_i32, %c0_i32_0 : i32, i32
  }
  func.func @transform_13(%arg0: i32) -> (i32, i32) {
    %c0_i32 = arith.constant 0 : i32
    %c0_i32_0 = arith.constant 0 : i32
    %c0_i32_1 = arith.constant 0 : i32
    return %c0_i32, %c0_i32_0 : i32, i32
  }
  func.func @transform_14(%arg0: i32) -> (i32, i32) {
    %c0_i32 = arith.constant 0 : i32
    %c0_i32_0 = arith.constant 0 : i32
    %c0_i32_1 = arith.constant 0 : i32
    return %c0_i32, %c0_i32_0 : i32, i32
  }
  func.func @transform_15(%arg0: i32) -> (i32, i32) {
    %c0_i32 = arith.constant 0 : i32
    %c0_i32_0 = arith.constant 0 : i32
    %c0_i32_1 = arith.constant 0 : i32
    return %c0_i32, %c0_i32_0 : i32, i32
  }
  func.func @transform_16(%arg0: i32) -> (i32, i32) {
    %c0_i32 = arith.constant 0 : i32
    %c0_i32_0 = arith.constant 0 : i32
    %c0_i32_1 = arith.constant 0 : i32
    return %c0_i32, %c0_i32_0 : i32, i32
  }
  func.func @transform_17(%arg0: i32) -> (i32, i32) {
    %c0_i32 = arith.constant 0 : i32
    %c0_i32_0 = arith.constant 0 : i32
    %c0_i32_1 = arith.constant 0 : i32
    return %c0_i32, %c0_i32_0 : i32, i32
  }
  func.func @transform_18(%arg0: i32) -> (i32, i32) {
    %c0_i32 = arith.constant 0 : i32
    %c0_i32_0 = arith.constant 0 : i32
    %c0_i32_1 = arith.constant 0 : i32
    return %c0_i32, %c0_i32_0 : i32, i32
  }
  func.func @transform_19(%arg0: i32) -> (i32, i32) {
    %c0_i32 = arith.constant 0 : i32
    %c0_i32_0 = arith.constant 0 : i32
    %c0_i32_1 = arith.constant 0 : i32
    return %c0_i32, %c0_i32_0 : i32, i32
  }
  func.func @transform_20(%arg0: i32) -> (i32, i32) {
    %c0_i32 = arith.constant 0 : i32
    %c0_i32_0 = arith.constant 0 : i32
    %c0_i32_1 = arith.constant 0 : i32
    return %c0_i32, %c0_i32_0 : i32, i32
  }
  func.func @transform_21(%arg0: i32) -> (i32, i32) {
    %c0_i32 = arith.constant 0 : i32
    %c0_i32_0 = arith.constant 0 : i32
    %c0_i32_1 = arith.constant 0 : i32
    return %c0_i32, %c0_i32_0 : i32, i32
  }
  func.func @transform_22(%arg0: i32) -> (i32, i32) {
    %c0_i32 = arith.constant 0 : i32
    %c0_i32_0 = arith.constant 0 : i32
    %c0_i32_1 = arith.constant 0 : i32
    return %c0_i32, %c0_i32_0 : i32, i32
  }
  func.func @transform_23(%arg0: i32) -> (i32, i32) {
    %c0_i32 = arith.constant 0 : i32
    %c0_i32_0 = arith.constant 0 : i32
    return %arg0, %c0_i32 : i32, i32
  }
  func.func @transform_24(%arg0: i32) -> (i32, i32, i32) {
    %c0_i32 = arith.constant 0 : i32
    %c0_i32_0 = arith.constant 0 : i32
    %c0_i32_1 = arith.constant 0 : i32
    return %arg0, %c0_i32, %c0_i32_0 : i32, i32, i32
  }
  func.func @transform_25(%arg0: i32) -> (i32, i32, i32) {
    %c0_i32 = arith.constant 0 : i32
    %c0_i32_0 = arith.constant 0 : i32
    %c0_i32_1 = arith.constant 0 : i32
    return %arg0, %c0_i32, %c0_i32_0 : i32, i32, i32
  }
}

module attributes {stable_mosaic.version = 14 : i64} {
  func.func @_kc_body(%arg0: i32, %arg1: memref<512x144xf32, #tpu.memory_space<vmem>>, %arg2: memref<512x144xf32, #tpu.memory_space<vmem>>, %arg3: memref<32x128xf32, #tpu.memory_space<vmem>>, %arg4: memref<32x128xf32, #tpu.memory_space<vmem>>, %arg5: memref<144x128xf32, #tpu.memory_space<vmem>>, %arg6: memref<1x128xf32, #tpu.memory_space<vmem>>, %arg7: memref<1x128xf32, #tpu.memory_space<vmem>>, %arg8: memref<2x128xf32, #tpu.memory_space<vmem>>, %arg9: memref<128x128xf32, #tpu.memory_space<vmem>>, %arg10: memref<128x128xf32, #tpu.memory_space<vmem>>, %arg11: memref<1x128xf32, #tpu.memory_space<vmem>>, %arg12: memref<128x128xf32, #tpu.memory_space<vmem>>, %arg13: memref<1x128xf32, #tpu.memory_space<vmem>>, %arg14: memref<1x128xf32, #tpu.memory_space<vmem>>, %arg15: memref<1x128xf32, #tpu.memory_space<vmem>>, %arg16: memref<128x128xf32, #tpu.memory_space<vmem>>, %arg17: memref<1x128xf32, #tpu.memory_space<vmem>>, %arg18: memref<128x128xf32, #tpu.memory_space<vmem>>, %arg19: memref<1x128xf32, #tpu.memory_space<vmem>>, %arg20: memref<1x128xf32, #tpu.memory_space<vmem>>, %arg21: memref<512x128xf32, #tpu.memory_space<vmem>>) attributes {dimension_semantics = [#tpu.dimension_semantics<arbitrary>], iteration_bounds = array<i64: 20>, scalar_prefetch = 0 : i64, scratch_operands = 0 : i64, tpu.core_type = #tpu.core_type<tc>, window_params = [{transform_indices = @transform_0, window_bounds = array<i64: 512, 144>}, {transform_indices = @transform_1, window_bounds = array<i64: 512, 144>}, {pipeline_mode = #tpu.pipeline_mode<synchronous>, transform_indices = @transform_2, window_bounds = array<i64: 32, 128>}, {pipeline_mode = #tpu.pipeline_mode<synchronous>, transform_indices = @transform_3, window_bounds = array<i64: 32, 128>}, {pipeline_mode = #tpu.pipeline_mode<synchronous>, transform_indices = @transform_4, window_bounds = array<i64: 144, 128>}, {pipeline_mode = #tpu.pipeline_mode<synchronous>, transform_indices = @transform_5, window_bounds = array<i64: 1, 128>}, {pipeline_mode = #tpu.pipeline_mode<synchronous>, transform_indices = @transform_6, window_bounds = array<i64: 1, 128>}, {pipeline_mode = #tpu.pipeline_mode<synchronous>, transform_indices = @transform_7, window_bounds = array<i64: 2, 128>}, {pipeline_mode = #tpu.pipeline_mode<synchronous>, transform_indices = @transform_8, window_bounds = array<i64: 128, 128>}, {pipeline_mode = #tpu.pipeline_mode<synchronous>, transform_indices = @transform_9, window_bounds = array<i64: 128, 128>}, {pipeline_mode = #tpu.pipeline_mode<synchronous>, transform_indices = @transform_10, window_bounds = array<i64: 1, 128>}, {pipeline_mode = #tpu.pipeline_mode<synchronous>, transform_indices = @transform_11, window_bounds = array<i64: 128, 128>}, {pipeline_mode = #tpu.pipeline_mode<synchronous>, transform_indices = @transform_12, window_bounds = array<i64: 1, 128>}, {pipeline_mode = #tpu.pipeline_mode<synchronous>, transform_indices = @transform_13, window_bounds = array<i64: 1, 128>}, {pipeline_mode = #tpu.pipeline_mode<synchronous>, transform_indices = @transform_14, window_bounds = array<i64: 1, 128>}, {pipeline_mode = #tpu.pipeline_mode<synchronous>, transform_indices = @transform_15, window_bounds = array<i64: 128, 128>}, {pipeline_mode = #tpu.pipeline_mode<synchronous>, transform_indices = @transform_16, window_bounds = array<i64: 1, 128>}, {pipeline_mode = #tpu.pipeline_mode<synchronous>, transform_indices = @transform_17, window_bounds = array<i64: 128, 128>}, {pipeline_mode = #tpu.pipeline_mode<synchronous>, transform_indices = @transform_18, window_bounds = array<i64: 1, 128>}, {pipeline_mode = #tpu.pipeline_mode<synchronous>, transform_indices = @transform_19, window_bounds = array<i64: 1, 128>}, {transform_indices = @transform_20, window_bounds = array<i64: 512, 128>}]} {
    %get3A = arith.constant 0 : index
    %get3A_0 = arith.constant 0 : index
    %get3A_1 = vector.load %arg1[%get3A, %get3A_0] : memref<512x144xf32, #tpu.memory_space<vmem>>, vector<512x144xf32>
    %get3A_2 = arith.constant 0 : index
    %get3A_3 = arith.constant 0 : index
    %get3A_4 = vector.load %arg2[%get3A_2, %get3A_3] : memref<512x144xf32, #tpu.memory_space<vmem>>, vector<512x144xf32>
    %add3A = arith.addf %get3A_1, %get3A_4 : vector<512x144xf32>
    %get3A_5 = arith.constant 0 : index
    %get3A_6 = arith.constant 0 : index
    %get3A_7 = vector.load %arg5[%get3A_5, %get3A_6] : memref<144x128xf32, #tpu.memory_space<vmem>>, vector<144x128xf32>
    %dot_general3A = arith.constant dense<0.000000e+00> : vector<512x128xf32>
    %dot_general3A_8 = tpu.matmul %add3A, %get3A_7, %dot_general3A {dimension_numbers = #tpu.dot_dimension_numbers<[1], [0], [0], [1], [0, 0, 1, 1], [], []>, transpose_lhs_hint = false} : vector<512x144xf32>, vector<144x128xf32>, vector<512x128xf32> -> vector<512x128xf32>
    %slice3A = vector.extract_strided_slice %add3A {offsets = [0, 0], sizes = [512, 128], strides = [1, 1]} : vector<512x144xf32> to vector<512x128xf32>
    %add3A_9 = arith.constant 1.000000e-16 : f32
    %add3A_10 = vector.broadcast %add3A_9 : f32 to vector<512x128xf32>
    %add3A_11 = arith.addf %dot_general3A_8, %add3A_10 : vector<512x128xf32>
    %div3A = arith.divf %slice3A, %add3A_11 : vector<512x128xf32>
    %get3A_12 = arith.constant 0 : index
    %get3A_13 = arith.constant 0 : index
    %get3A_14 = vector.load %arg3[%get3A_12, %get3A_13] : memref<32x128xf32, #tpu.memory_space<vmem>>, vector<32x128xf32>
    %reduce_sum3A = arith.constant dense<0.000000e+00> : vector<128xf32>
    %reduce_sum3A_15 = vector.multi_reduction <add>, %get3A_14, %reduce_sum3A [0] : vector<32x128xf32> to vector<128xf32>
    %broadcast_in_dim3A = vector.shape_cast %reduce_sum3A_15 : vector<128xf32> to vector<1x128xf32>
    %get3A_16 = arith.constant 0 : index
    %get3A_17 = arith.constant 0 : index
    %get3A_18 = vector.load %arg4[%get3A_16, %get3A_17] : memref<32x128xf32, #tpu.memory_space<vmem>>, vector<32x128xf32>
    %reduce_sum3A_19 = arith.constant dense<0.000000e+00> : vector<128xf32>
    %reduce_sum3A_20 = vector.multi_reduction <add>, %get3A_18, %reduce_sum3A_19 [0] : vector<32x128xf32> to vector<128xf32>
    %broadcast_in_dim3A_21 = vector.shape_cast %reduce_sum3A_20 : vector<128xf32> to vector<1x128xf32>
    %div3A_22 = arith.divf %broadcast_in_dim3A, %broadcast_in_dim3A_21 : vector<1x128xf32>
    %get3A_23 = arith.constant 0 : index
    %get3A_24 = arith.constant 0 : index
    %get3A_25 = vector.load %arg8[%get3A_23, %get3A_24] : memref<2x128xf32, #tpu.memory_space<vmem>>, vector<2x128xf32>
    %get3A_26 = arith.constant 0 : index
    %get3A_27 = arith.constant 0 : index
    %get3A_28 = vector.load %arg6[%get3A_26, %get3A_27] : memref<1x128xf32, #tpu.memory_space<vmem>>, vector<1x128xf32>
    %get3A_29 = arith.constant 0 : index
    %get3A_30 = arith.constant 0 : index
    %get3A_31 = vector.load %arg7[%get3A_29, %get3A_30] : memref<1x128xf32, #tpu.memory_space<vmem>>, vector<1x128xf32>
    %reduce_sum3A_32 = arith.constant dense<0.000000e+00> : vector<1xf32>
    %reduce_sum3A_33 = vector.multi_reduction <add>, %div3A_22, %reduce_sum3A_32 [1] : vector<1x128xf32> to vector<1xf32>
    %broadcast_in_dim3A_34 = vector.shape_cast %reduce_sum3A_33 : vector<1xf32> to vector<1x1xf32>
    %div3A_35 = arith.constant 1.280000e+02 : f32
    %div3A_36 = vector.broadcast %div3A_35 : f32 to vector<1x1xf32>
    %div3A_37 = arith.divf %broadcast_in_dim3A_34, %div3A_36 : vector<1x1xf32>
    %sub3A = vector.broadcast %div3A_37 : vector<1x1xf32> to vector<1x128xf32>
    %sub3A_38 = arith.subf %div3A_22, %sub3A : vector<1x128xf32>
    %mul3A = arith.mulf %sub3A_38, %sub3A_38 : vector<1x128xf32>
    %reduce_sum3A_39 = arith.constant dense<0.000000e+00> : vector<1xf32>
    %reduce_sum3A_40 = vector.multi_reduction <add>, %mul3A, %reduce_sum3A_39 [1] : vector<1x128xf32> to vector<1xf32>
    %broadcast_in_dim3A_41 = vector.shape_cast %reduce_sum3A_40 : vector<1xf32> to vector<1x1xf32>
    %div3A_42 = arith.constant 1.280000e+02 : f32
    %div3A_43 = vector.broadcast %div3A_42 : f32 to vector<1x1xf32>
    %div3A_44 = arith.divf %broadcast_in_dim3A_41, %div3A_43 : vector<1x1xf32>
    %add3A_45 = arith.constant 9.99999974E-6 : f32
    %add3A_46 = vector.broadcast %add3A_45 : f32 to vector<1x1xf32>
    %add3A_47 = arith.addf %div3A_44, %add3A_46 : vector<1x1xf32>
    %rsqrt3A = math.rsqrt %add3A_47 : vector<1x1xf32>
    %mul3A_48 = vector.broadcast %rsqrt3A : vector<1x1xf32> to vector<1x128xf32>
    %mul3A_49 = arith.mulf %sub3A_38, %mul3A_48 : vector<1x128xf32>
    %mul3A_50 = arith.mulf %mul3A_49, %get3A_28 : vector<1x128xf32>
    %add3A_51 = arith.addf %mul3A_50, %get3A_31 : vector<1x128xf32>
    %get3A_52 = arith.constant 0 : index
    %get3A_53 = arith.constant 0 : index
    %get3A_54 = vector.load %arg9[%get3A_52, %get3A_53] : memref<128x128xf32, #tpu.memory_space<vmem>>, vector<128x128xf32>
    %dot_general3A_55 = arith.constant dense<0.000000e+00> : vector<1x128xf32>
    %dot_general3A_56 = tpu.matmul %add3A_51, %get3A_54, %dot_general3A_55 {dimension_numbers = #tpu.dot_dimension_numbers<[1], [0], [0], [1], [0, 0, 1, 1], [], []>, transpose_lhs_hint = false} : vector<1x128xf32>, vector<128x128xf32>, vector<1x128xf32> -> vector<1x128xf32>
    %slice3A_57 = vector.extract_strided_slice %get3A_25 {offsets = [0, 0], sizes = [1, 128], strides = [1, 1]} : vector<2x128xf32> to vector<1x128xf32>
    %get3A_58 = arith.constant 0 : index
    %get3A_59 = arith.constant 0 : index
    %get3A_60 = vector.load %arg10[%get3A_58, %get3A_59] : memref<128x128xf32, #tpu.memory_space<vmem>>, vector<128x128xf32>
    %dot_general3A_61 = arith.constant dense<0.000000e+00> : vector<1x128xf32>
    %dot_general3A_62 = tpu.matmul %slice3A_57, %get3A_60, %dot_general3A_61 {dimension_numbers = #tpu.dot_dimension_numbers<[1], [0], [0], [1], [0, 0, 1, 1], [], []>, transpose_lhs_hint = false} : vector<1x128xf32>, vector<128x128xf32>, vector<1x128xf32> -> vector<1x128xf32>
    %add3A_63 = arith.addf %dot_general3A_56, %dot_general3A_62 : vector<1x128xf32>
    %get3A_64 = arith.constant 0 : index
    %get3A_65 = arith.constant 0 : index
    %get3A_66 = vector.load %arg11[%get3A_64, %get3A_65] : memref<1x128xf32, #tpu.memory_space<vmem>>, vector<1x128xf32>
    %add3A_67 = arith.addf %add3A_63, %get3A_66 : vector<1x128xf32>
    %max3A = arith.constant 0.000000e+00 : f32
    %max3A_68 = vector.broadcast %max3A : f32 to vector<1x128xf32>
    %max3A_69 = arith.maximumf %add3A_67, %max3A_68 : vector<1x128xf32>
    %get3A_70 = arith.constant 0 : index
    %get3A_71 = arith.constant 0 : index
    %get3A_72 = vector.load %arg12[%get3A_70, %get3A_71] : memref<128x128xf32, #tpu.memory_space<vmem>>, vector<128x128xf32>
    %dot_general3A_73 = arith.constant dense<0.000000e+00> : vector<1x128xf32>
    %dot_general3A_74 = tpu.matmul %max3A_69, %get3A_72, %dot_general3A_73 {dimension_numbers = #tpu.dot_dimension_numbers<[1], [0], [0], [1], [0, 0, 1, 1], [], []>, transpose_lhs_hint = false} : vector<1x128xf32>, vector<128x128xf32>, vector<1x128xf32> -> vector<1x128xf32>
    %get3A_75 = arith.constant 0 : index
    %get3A_76 = arith.constant 0 : index
    %get3A_77 = vector.load %arg13[%get3A_75, %get3A_76] : memref<1x128xf32, #tpu.memory_space<vmem>>, vector<1x128xf32>
    %add3A_78 = arith.addf %dot_general3A_74, %get3A_77 : vector<1x128xf32>
    %add3A_79 = arith.addf %div3A_22, %add3A_78 : vector<1x128xf32>
    %get3A_80 = arith.constant 0 : index
    %get3A_81 = arith.constant 0 : index
    %get3A_82 = vector.load %arg6[%get3A_80, %get3A_81] : memref<1x128xf32, #tpu.memory_space<vmem>>, vector<1x128xf32>
    %get3A_83 = arith.constant 0 : index
    %get3A_84 = arith.constant 0 : index
    %get3A_85 = vector.load %arg7[%get3A_83, %get3A_84] : memref<1x128xf32, #tpu.memory_space<vmem>>, vector<1x128xf32>
    %reduce_sum3A_86 = arith.constant dense<0.000000e+00> : vector<512xf32>
    %reduce_sum3A_87 = vector.multi_reduction <add>, %div3A, %reduce_sum3A_86 [1] : vector<512x128xf32> to vector<512xf32>
    %broadcast_in_dim3A_88 = vector.shape_cast %reduce_sum3A_87 : vector<512xf32> to vector<512x1xf32>
    %div3A_89 = arith.constant 1.280000e+02 : f32
    %div3A_90 = vector.broadcast %div3A_89 : f32 to vector<512x1xf32>
    %div3A_91 = arith.divf %broadcast_in_dim3A_88, %div3A_90 : vector<512x1xf32>
    %sub3A_92 = vector.broadcast %div3A_91 : vector<512x1xf32> to vector<512x128xf32>
    %sub3A_93 = arith.subf %div3A, %sub3A_92 : vector<512x128xf32>
    %mul3A_94 = arith.mulf %sub3A_93, %sub3A_93 : vector<512x128xf32>
    %reduce_sum3A_95 = arith.constant dense<0.000000e+00> : vector<512xf32>
    %reduce_sum3A_96 = vector.multi_reduction <add>, %mul3A_94, %reduce_sum3A_95 [1] : vector<512x128xf32> to vector<512xf32>
    %broadcast_in_dim3A_97 = vector.shape_cast %reduce_sum3A_96 : vector<512xf32> to vector<512x1xf32>
    %div3A_98 = arith.constant 1.280000e+02 : f32
    %div3A_99 = vector.broadcast %div3A_98 : f32 to vector<512x1xf32>
    %div3A_100 = arith.divf %broadcast_in_dim3A_97, %div3A_99 : vector<512x1xf32>
    %add3A_101 = arith.constant 9.99999974E-6 : f32
    %add3A_102 = vector.broadcast %add3A_101 : f32 to vector<512x1xf32>
    %add3A_103 = arith.addf %div3A_100, %add3A_102 : vector<512x1xf32>
    %rsqrt3A_104 = math.rsqrt %add3A_103 : vector<512x1xf32>
    %mul3A_105 = vector.broadcast %rsqrt3A_104 : vector<512x1xf32> to vector<512x128xf32>
    %mul3A_106 = arith.mulf %sub3A_93, %mul3A_105 : vector<512x128xf32>
    %mul3A_107 = vector.broadcast %get3A_82 : vector<1x128xf32> to vector<512x128xf32>
    %mul3A_108 = arith.mulf %mul3A_106, %mul3A_107 : vector<512x128xf32>
    %add3A_109 = vector.broadcast %get3A_85 : vector<1x128xf32> to vector<512x128xf32>
    %add3A_110 = arith.addf %mul3A_108, %add3A_109 : vector<512x128xf32>
    %get3A_111 = arith.constant 0 : index
    %get3A_112 = arith.constant 0 : index
    %get3A_113 = vector.load %arg9[%get3A_111, %get3A_112] : memref<128x128xf32, #tpu.memory_space<vmem>>, vector<128x128xf32>
    %dot_general3A_114 = arith.constant dense<0.000000e+00> : vector<512x128xf32>
    %dot_general3A_115 = tpu.matmul %add3A_110, %get3A_113, %dot_general3A_114 {dimension_numbers = #tpu.dot_dimension_numbers<[1], [0], [0], [1], [0, 0, 1, 1], [], []>, transpose_lhs_hint = false} : vector<512x128xf32>, vector<128x128xf32>, vector<512x128xf32> -> vector<512x128xf32>
    %slice3A_116 = vector.extract_strided_slice %get3A_25 {offsets = [1, 0], sizes = [1, 128], strides = [1, 1]} : vector<2x128xf32> to vector<1x128xf32>
    %get3A_117 = arith.constant 0 : index
    %get3A_118 = arith.constant 0 : index
    %get3A_119 = vector.load %arg10[%get3A_117, %get3A_118] : memref<128x128xf32, #tpu.memory_space<vmem>>, vector<128x128xf32>
    %dot_general3A_120 = arith.constant dense<0.000000e+00> : vector<1x128xf32>
    %dot_general3A_121 = tpu.matmul %slice3A_116, %get3A_119, %dot_general3A_120 {dimension_numbers = #tpu.dot_dimension_numbers<[1], [0], [0], [1], [0, 0, 1, 1], [], []>, transpose_lhs_hint = false} : vector<1x128xf32>, vector<128x128xf32>, vector<1x128xf32> -> vector<1x128xf32>
    %add3A_122 = vector.broadcast %dot_general3A_121 : vector<1x128xf32> to vector<512x128xf32>
    %add3A_123 = arith.addf %dot_general3A_115, %add3A_122 : vector<512x128xf32>
    %get3A_124 = arith.constant 0 : index
    %get3A_125 = arith.constant 0 : index
    %get3A_126 = vector.load %arg11[%get3A_124, %get3A_125] : memref<1x128xf32, #tpu.memory_space<vmem>>, vector<1x128xf32>
    %add3A_127 = vector.broadcast %get3A_126 : vector<1x128xf32> to vector<512x128xf32>
    %add3A_128 = arith.addf %add3A_123, %add3A_127 : vector<512x128xf32>
    %max3A_129 = arith.constant 0.000000e+00 : f32
    %max3A_130 = vector.broadcast %max3A_129 : f32 to vector<512x128xf32>
    %max3A_131 = arith.maximumf %add3A_128, %max3A_130 : vector<512x128xf32>
    %get3A_132 = arith.constant 0 : index
    %get3A_133 = arith.constant 0 : index
    %get3A_134 = vector.load %arg12[%get3A_132, %get3A_133] : memref<128x128xf32, #tpu.memory_space<vmem>>, vector<128x128xf32>
    %dot_general3A_135 = arith.constant dense<0.000000e+00> : vector<512x128xf32>
    %dot_general3A_136 = tpu.matmul %max3A_131, %get3A_134, %dot_general3A_135 {dimension_numbers = #tpu.dot_dimension_numbers<[1], [0], [0], [1], [0, 0, 1, 1], [], []>, transpose_lhs_hint = false} : vector<512x128xf32>, vector<128x128xf32>, vector<512x128xf32> -> vector<512x128xf32>
    %get3A_137 = arith.constant 0 : index
    %get3A_138 = arith.constant 0 : index
    %get3A_139 = vector.load %arg13[%get3A_137, %get3A_138] : memref<1x128xf32, #tpu.memory_space<vmem>>, vector<1x128xf32>
    %add3A_140 = vector.broadcast %get3A_139 : vector<1x128xf32> to vector<512x128xf32>
    %add3A_141 = arith.addf %dot_general3A_136, %add3A_140 : vector<512x128xf32>
    %add3A_142 = arith.addf %div3A, %add3A_141 : vector<512x128xf32>
    %add3A_143 = vector.broadcast %add3A_79 : vector<1x128xf32> to vector<512x128xf32>
    %add3A_144 = arith.addf %add3A_143, %add3A_142 : vector<512x128xf32>
    %get3A_145 = arith.constant 0 : index
    %get3A_146 = arith.constant 0 : index
    %get3A_147 = vector.load %arg14[%get3A_145, %get3A_146] : memref<1x128xf32, #tpu.memory_space<vmem>>, vector<1x128xf32>
    %get3A_148 = arith.constant 0 : index
    %get3A_149 = arith.constant 0 : index
    %get3A_150 = vector.load %arg15[%get3A_148, %get3A_149] : memref<1x128xf32, #tpu.memory_space<vmem>>, vector<1x128xf32>
    %reduce_sum3A_151 = arith.constant dense<0.000000e+00> : vector<512xf32>
    %reduce_sum3A_152 = vector.multi_reduction <add>, %add3A_144, %reduce_sum3A_151 [1] : vector<512x128xf32> to vector<512xf32>
    %broadcast_in_dim3A_153 = vector.shape_cast %reduce_sum3A_152 : vector<512xf32> to vector<512x1xf32>
    %div3A_154 = arith.constant 1.280000e+02 : f32
    %div3A_155 = vector.broadcast %div3A_154 : f32 to vector<512x1xf32>
    %div3A_156 = arith.divf %broadcast_in_dim3A_153, %div3A_155 : vector<512x1xf32>
    %sub3A_157 = vector.broadcast %div3A_156 : vector<512x1xf32> to vector<512x128xf32>
    %sub3A_158 = arith.subf %add3A_144, %sub3A_157 : vector<512x128xf32>
    %mul3A_159 = arith.mulf %sub3A_158, %sub3A_158 : vector<512x128xf32>
    %reduce_sum3A_160 = arith.constant dense<0.000000e+00> : vector<512xf32>
    %reduce_sum3A_161 = vector.multi_reduction <add>, %mul3A_159, %reduce_sum3A_160 [1] : vector<512x128xf32> to vector<512xf32>
    %broadcast_in_dim3A_162 = vector.shape_cast %reduce_sum3A_161 : vector<512xf32> to vector<512x1xf32>
    %div3A_163 = arith.constant 1.280000e+02 : f32
    %div3A_164 = vector.broadcast %div3A_163 : f32 to vector<512x1xf32>
    %div3A_165 = arith.divf %broadcast_in_dim3A_162, %div3A_164 : vector<512x1xf32>
    %add3A_166 = arith.constant 9.99999974E-6 : f32
    %add3A_167 = vector.broadcast %add3A_166 : f32 to vector<512x1xf32>
    %add3A_168 = arith.addf %div3A_165, %add3A_167 : vector<512x1xf32>
    %rsqrt3A_169 = math.rsqrt %add3A_168 : vector<512x1xf32>
    %mul3A_170 = vector.broadcast %rsqrt3A_169 : vector<512x1xf32> to vector<512x128xf32>
    %mul3A_171 = arith.mulf %sub3A_158, %mul3A_170 : vector<512x128xf32>
    %mul3A_172 = vector.broadcast %get3A_147 : vector<1x128xf32> to vector<512x128xf32>
    %mul3A_173 = arith.mulf %mul3A_171, %mul3A_172 : vector<512x128xf32>
    %add3A_174 = vector.broadcast %get3A_150 : vector<1x128xf32> to vector<512x128xf32>
    %add3A_175 = arith.addf %mul3A_173, %add3A_174 : vector<512x128xf32>
    %get3A_176 = arith.constant 0 : index
    %get3A_177 = arith.constant 0 : index
    %get3A_178 = vector.load %arg16[%get3A_176, %get3A_177] : memref<128x128xf32, #tpu.memory_space<vmem>>, vector<128x128xf32>
    %dot_general3A_179 = arith.constant dense<0.000000e+00> : vector<512x128xf32>
    %dot_general3A_180 = tpu.matmul %add3A_175, %get3A_178, %dot_general3A_179 {dimension_numbers = #tpu.dot_dimension_numbers<[1], [0], [0], [1], [0, 0, 1, 1], [], []>, transpose_lhs_hint = false} : vector<512x128xf32>, vector<128x128xf32>, vector<512x128xf32> -> vector<512x128xf32>
    %get3A_181 = arith.constant 0 : index
    %get3A_182 = arith.constant 0 : index
    %get3A_183 = vector.load %arg17[%get3A_181, %get3A_182] : memref<1x128xf32, #tpu.memory_space<vmem>>, vector<1x128xf32>
    %add3A_184 = vector.broadcast %get3A_183 : vector<1x128xf32> to vector<512x128xf32>
    %add3A_185 = arith.addf %dot_general3A_180, %add3A_184 : vector<512x128xf32>
    %max3A_186 = arith.constant 0.000000e+00 : f32
    %max3A_187 = vector.broadcast %max3A_186 : f32 to vector<512x128xf32>
    %max3A_188 = arith.maximumf %add3A_185, %max3A_187 : vector<512x128xf32>
    %get3A_189 = arith.constant 0 : index
    %get3A_190 = arith.constant 0 : index
    %get3A_191 = vector.load %arg18[%get3A_189, %get3A_190] : memref<128x128xf32, #tpu.memory_space<vmem>>, vector<128x128xf32>
    %dot_general3A_192 = arith.constant dense<0.000000e+00> : vector<512x128xf32>
    %dot_general3A_193 = tpu.matmul %max3A_188, %get3A_191, %dot_general3A_192 {dimension_numbers = #tpu.dot_dimension_numbers<[1], [0], [0], [1], [0, 0, 1, 1], [], []>, transpose_lhs_hint = false} : vector<512x128xf32>, vector<128x128xf32>, vector<512x128xf32> -> vector<512x128xf32>
    %get3A_194 = arith.constant 0 : index
    %get3A_195 = arith.constant 0 : index
    %get3A_196 = vector.load %arg19[%get3A_194, %get3A_195] : memref<1x128xf32, #tpu.memory_space<vmem>>, vector<1x128xf32>
    %add3A_197 = vector.broadcast %get3A_196 : vector<1x128xf32> to vector<512x128xf32>
    %add3A_198 = arith.addf %dot_general3A_193, %add3A_197 : vector<512x128xf32>
    %add3A_199 = arith.addf %add3A_144, %add3A_198 : vector<512x128xf32>
    %get3A_200 = arith.constant 0 : index
    %get3A_201 = arith.constant 0 : index
    %get3A_202 = vector.load %arg20[%get3A_200, %get3A_201] : memref<1x128xf32, #tpu.memory_space<vmem>>, vector<1x128xf32>
    %add3A_203 = vector.broadcast %get3A_202 : vector<1x128xf32> to vector<512x128xf32>
    %add3A_204 = arith.addf %add3A_199, %add3A_203 : vector<512x128xf32>
    %swap3A = arith.constant 0 : index
    %swap3A_205 = arith.constant 0 : index
    %swap3A_206 = vector.load %arg21[%swap3A, %swap3A_205] : memref<512x128xf32, #tpu.memory_space<vmem>>, vector<512x128xf32>
    tpu.vector_store %arg21[%swap3A, %swap3A_205], %add3A_204 {strides = array<i32>} : memref<512x128xf32, #tpu.memory_space<vmem>>, vector<512x128xf32>,
    return
  }
  func.func @transform_0(%arg0: i32) -> (i32, i32) {
    %c0_i32 = arith.constant 0 : i32
    %c0_i32_0 = arith.constant 0 : i32
    return %arg0, %c0_i32 : i32, i32
  }
  func.func @transform_1(%arg0: i32) -> (i32, i32) {
    %c0_i32 = arith.constant 0 : i32
    %c0_i32_0 = arith.constant 0 : i32
    return %arg0, %c0_i32 : i32, i32
  }
  func.func @transform_2(%arg0: i32) -> (i32, i32) {
    %c0_i32 = arith.constant 0 : i32
    %c0_i32_0 = arith.constant 0 : i32
    %c0_i32_1 = arith.constant 0 : i32
    return %c0_i32, %c0_i32_0 : i32, i32
  }
  func.func @transform_3(%arg0: i32) -> (i32, i32) {
    %c0_i32 = arith.constant 0 : i32
    %c0_i32_0 = arith.constant 0 : i32
    %c0_i32_1 = arith.constant 0 : i32
    return %c0_i32, %c0_i32_0 : i32, i32
  }
  func.func @transform_4(%arg0: i32) -> (i32, i32) {
    %c0_i32 = arith.constant 0 : i32
    %c0_i32_0 = arith.constant 0 : i32
    %c0_i32_1 = arith.constant 0 : i32
    return %c0_i32, %c0_i32_0 : i32, i32
  }
  func.func @transform_5(%arg0: i32) -> (i32, i32) {
    %c0_i32 = arith.constant 0 : i32
    %c0_i32_0 = arith.constant 0 : i32
    %c0_i32_1 = arith.constant 0 : i32
    return %c0_i32, %c0_i32_0 : i32, i32
  }
  func.func @transform_6(%arg0: i32) -> (i32, i32) {
    %c0_i32 = arith.constant 0 : i32
    %c0_i32_0 = arith.constant 0 : i32
    %c0_i32_1 = arith.constant 0 : i32
    return %c0_i32, %c0_i32_0 : i32, i32
  }
  func.func @transform_7(%arg0: i32) -> (i32, i32) {
    %c0_i32 = arith.constant 0 : i32
    %c0_i32_0 = arith.constant 0 : i32
    %c0_i32_1 = arith.constant 0 : i32
    return %c0_i32, %c0_i32_0 : i32, i32
  }
  func.func @transform_8(%arg0: i32) -> (i32, i32) {
    %c0_i32 = arith.constant 0 : i32
    %c0_i32_0 = arith.constant 0 : i32
    %c0_i32_1 = arith.constant 0 : i32
    return %c0_i32, %c0_i32_0 : i32, i32
  }
  func.func @transform_9(%arg0: i32) -> (i32, i32) {
    %c0_i32 = arith.constant 0 : i32
    %c0_i32_0 = arith.constant 0 : i32
    %c0_i32_1 = arith.constant 0 : i32
    return %c0_i32, %c0_i32_0 : i32, i32
  }
  func.func @transform_10(%arg0: i32) -> (i32, i32) {
    %c0_i32 = arith.constant 0 : i32
    %c0_i32_0 = arith.constant 0 : i32
    %c0_i32_1 = arith.constant 0 : i32
    return %c0_i32, %c0_i32_0 : i32, i32
  }
  func.func @transform_11(%arg0: i32) -> (i32, i32) {
    %c0_i32 = arith.constant 0 : i32
    %c0_i32_0 = arith.constant 0 : i32
    %c0_i32_1 = arith.constant 0 : i32
    return %c0_i32, %c0_i32_0 : i32, i32
  }
  func.func @transform_12(%arg0: i32) -> (i32, i32) {
    %c0_i32 = arith.constant 0 : i32
    %c0_i32_0 = arith.constant 0 : i32
    %c0_i32_1 = arith.constant 0 : i32
    return %c0_i32, %c0_i32_0 : i32, i32
  }
  func.func @transform_13(%arg0: i32) -> (i32, i32) {
    %c0_i32 = arith.constant 0 : i32
    %c0_i32_0 = arith.constant 0 : i32
    %c0_i32_1 = arith.constant 0 : i32
    return %c0_i32, %c0_i32_0 : i32, i32
  }
  func.func @transform_14(%arg0: i32) -> (i32, i32) {
    %c0_i32 = arith.constant 0 : i32
    %c0_i32_0 = arith.constant 0 : i32
    %c0_i32_1 = arith.constant 0 : i32
    return %c0_i32, %c0_i32_0 : i32, i32
  }
  func.func @transform_15(%arg0: i32) -> (i32, i32) {
    %c0_i32 = arith.constant 0 : i32
    %c0_i32_0 = arith.constant 0 : i32
    %c0_i32_1 = arith.constant 0 : i32
    return %c0_i32, %c0_i32_0 : i32, i32
  }
  func.func @transform_16(%arg0: i32) -> (i32, i32) {
    %c0_i32 = arith.constant 0 : i32
    %c0_i32_0 = arith.constant 0 : i32
    %c0_i32_1 = arith.constant 0 : i32
    return %c0_i32, %c0_i32_0 : i32, i32
  }
  func.func @transform_17(%arg0: i32) -> (i32, i32) {
    %c0_i32 = arith.constant 0 : i32
    %c0_i32_0 = arith.constant 0 : i32
    %c0_i32_1 = arith.constant 0 : i32
    return %c0_i32, %c0_i32_0 : i32, i32
  }
  func.func @transform_18(%arg0: i32) -> (i32, i32) {
    %c0_i32 = arith.constant 0 : i32
    %c0_i32_0 = arith.constant 0 : i32
    %c0_i32_1 = arith.constant 0 : i32
    return %c0_i32, %c0_i32_0 : i32, i32
  }
  func.func @transform_19(%arg0: i32) -> (i32, i32) {
    %c0_i32 = arith.constant 0 : i32
    %c0_i32_0 = arith.constant 0 : i32
    %c0_i32_1 = arith.constant 0 : i32
    return %c0_i32, %c0_i32_0 : i32, i32
  }
  func.func @transform_20(%arg0: i32) -> (i32, i32) {
    %c0_i32 = arith.constant 0 : i32
    %c0_i32_0 = arith.constant 0 : i32
    return %arg0, %c0_i32 : i32, i32
  }
}

</mosaic_0001>

<sc_bundles>
// kernel: kernel.5.cloned.1.call-start
scs
__scs_entry_jumppad:
0x0: {  	(pc) =	sbr.rel $0x88, $3  }
0x1: {  	(tag) =	ssettag $0x0;
	lr =	simm.s32 $0x1  }
0x2: {  	[smem:$0x3F82] =	sst lr;
	_ =	strace $0xD0000000  }
0x3: {  	_ = 	snop  }
0x4: {  	_ = 	snop  }
0x5: {  	_ = 	snop  }
0x6: {  	_ = 	snop  }
0x7: {  	_ = 	snop  }
__scs_overlays_trampoline_lowered:
0x8: {  	[smem:$0x3F91] =	sst s0  }
0x9: {  	[smem:$0x3F92] =	sst s1  }
0xa: {  	[smem:$0x3F93] =	sst s2  }
0xb: {  	[smem:$0x3F94] =	sst s3  }
0xc: {  	[smem:$0x3F95] =	sst s4  }
0xd: {  	[smem:$0x3F96] =	sst s5  }
0xe: {  	[smem:$0x3F97] =	sst s6  }
0xf: {  	[smem:$0x3F98] =	sst s7  }
0x10: {  	[smem:$0x3F99] =	sst s8  }
0x11: {  	[smem:$0x3F9A] =	sst s9;
	s0 =	simm.s32 @!p0 $0x0  }
0x12: {  	s1 =	sld [smem:$0x3F80];
	s0 =	simm.s32 @p0 $0x1  }
0x13: {  	[smem:$0x3F9B] =	sst s0;
	s0 =	simm.s32 @!p1 $0x0  }
0x14: {  	s2 =	sld [smem:$0x3F7F];
	s0 =	simm.s32 @p1 $0x1  }
0x15: {  	[smem:$0x3F9C] =	sst s0;
	s0 =	simm.s32 @!p2 $0x0  }
0x16: {  	s3 =	sld [smem:$0x3FDB];
	s0 =	simm.s32 @p2 $0x1  }
0x17: {  	s4 =	simm.s32 $0x1BF5;
	[smem:$0x3F9E] =	sst s0  }
0x18: {  	s0 =	sld [smem:$0x3F81];
	_ =	swait.ge [sflag:s4], $0x0  }
0x19: {  	s7 =	sld [smem:$0x3F82]  }
0x1a: {  	s8 =	sadd.s32 $0xFFFFE003, lr  }
0x1b: {  	s9 =	sadd.s32 $0xFFFFFEF7, lr;
	s5 =	simm.s32 $0xFFFFFFFF;
	p2 =	slt.u32 s8, $0xFFFFF086  }
0x1c: {  	p1 =	slt.u32 s9, $0xF7A;
	s5 =	simm.s32 @!p2 $0x0  }
0x1d: {  	s5 =	simm.s32 @p1 $0x1;
	p0 =	seq.s32 s7, s2  }
0x1e: {  	s7 =	smul.u32 @!p0 $0xF7A, s2;
	p2 =	seq.s32 @!p0 s5, $0x0  }
0x1f: {  	s9 =	smul.u32 $0xF7A, s1;
	s8 =	simm.s32 @!p0 $0x1BF5;
	p2 =	por !p2, p0  }
0x20: {  	[sflag:s8] =	ssyncset.s32 @!p0 $0xFFFFF086;
	s6 =	sadd.s32 @!p0 s3, s7;
	s7 =	simm.s32 @!p0 $0x108  }
0x21: {  	s3 =	sadd.s32 s3, s9;
	s6 =	sadd.s32 @!p0 $0x88, s6;
	s7 =	simm.s32 @p2 $0x1082  }
0x22: {  	[simem:s7], [sflag:s8] =	dma.local @!p0 [hbm:s6], $0xF7A  }
0x23: {  	s9 =	sor.u32 $0xD0000000, s2;
	s6 =	simm.s32 $0x108;
	_ =	swait.ge @!p0 [sflag:s8], $0x0  }
0x24: {  	s3 =	sadd.s32 $0x88, s3;
	s6 =	simm.s32 @!p1 $0x1082;
	[sflag:s4] =	ssyncset.s32 $0xFFFFF086  }
0x25: {  	[simem:s6], [sflag:s4] =	dma.local [hbm:s3], $0xF7A  }
0x26: {  	[smem:$0x3F82] =	sst s1;
	(tag) =	ssettag s2;
	_ =	strace s9  }
0x27: {  	s1 =	sld [smem:$0x3F92]  }
0x28: {  	s2 =	sld [smem:$0x3F93]  }
0x29: {  	s4 =	sld [smem:$0x3F95]  }
0x2a: {  	p0 =	seq.s32 s5, $0x0;
	s5 =	sld [smem:$0x3F96]  }
0x2b: {  	s6 =	sld [smem:$0x3F97]  }
0x2c: {  	s7 =	sld [smem:$0x3F98]  }
0x2d: {  	s3 =	simm.s32 $0x108;
	s8 =	sld [smem:$0x3F99]  }
0x2e: {  	s3 =	simm.s32 @!p0 $0x1082;
	s9 =	sld [smem:$0x3F9A]  }
0x2f: {  	lr =	sadd.s32 s0, s3;
	s0 =	sld [smem:$0x3F91]  }
0x30: {  	s3 =	sld [smem:$0x3F94]  }
0x31: {  	[smem:$0x3F9D] =	sst s10  }
0x32: {  	s10 =	sld [smem:$0x3F9B];
	_ =	sdelay $0x3  }
0x33: {  	p0 =	seq.s32 s10, $0x1;
	s10 =	sld [smem:$0x3F9D];
	_ =	sdelay $0x3  }
0x34: {  	[smem:$0x3F9D] =	sst s10  }
0x35: {  	s10 =	sld [smem:$0x3F9C];
	_ =	sdelay $0x3  }
0x36: {  	p1 =	seq.s32 s10, $0x1;
	s10 =	sld [smem:$0x3F9D];
	_ =	sdelay $0x3  }
0x37: {  	[smem:$0x3F9D] =	sst s10  }
0x38: {  	s10 =	sld [smem:$0x3F9E]  }
0x39: {  	_ = 	snop;
	(pc) =	sbr.ind lr, $3  }
0x3a: {  	_ = 	snop  }
0x3b: {  	_ = 	snop  }
0x3c: {  	p2 =	seq.s32 s10, $0x1;
	s10 =	sld [smem:$0x3F9D]  }
0x3d: {  	_ =	shalt  }
0x3e: {  	_ =	shalt  }
0x3f: {  	_ =	shalt  }
0x40: {  	_ =	shalt  }
0x41: {  	_ =	shalt  }
0x42: {  	_ =	shalt  }
0x43: {  	_ =	shalt  }
0x44: {  	_ =	shalt  }
0x45: {  	_ =	shalt  }
0x46: {  	_ =	shalt  }
0x47: {  	_ =	shalt  }
0x48: {  	_ =	shalt  }
0x49: {  	_ =	shalt  }
0x4a: {  	_ =	shalt  }
0x4b: {  	_ =	shalt  }
0x4c: {  	_ =	shalt  }
0x4d: {  	_ =	shalt  }
0x4e: {  	_ =	shalt  }
0x4f: {  	_ =	shalt  }
0x50: {  	_ =	shalt  }
0x51: {  	_ =	shalt  }
0x52: {  	_ =	shalt  }
0x53: {  	_ =	shalt  }
0x54: {  	_ =	shalt  }
0x55: {  	_ =	shalt  }
0x56: {  	_ =	shalt  }
0x57: {  	_ =	shalt  }
0x58: {  	_ =	shalt  }
0x59: {  	_ =	shalt  }
0x5a: {  	_ =	shalt  }
0x5b: {  	_ =	shalt  }
0x5c: {  	_ =	shalt  }
0x5d: {  	_ =	shalt  }
0x5e: {  	_ =	shalt  }
0x5f: {  	_ =	shalt  }
0x60: {  	_ =	shalt  }
0x61: {  	_ =	shalt  }
0x62: {  	_ =	shalt  }
0x63: {  	_ =	shalt  }
0x64: {  	_ =	shalt  }
0x65: {  	_ =	shalt  }
0x66: {  	_ =	shalt  }
0x67: {  	_ =	shalt  }
0x68: {  	_ =	shalt  }
0x69: {  	_ =	shalt  }
0x6a: {  	_ =	shalt  }
0x6b: {  	_ =	shalt  }
0x6c: {  	_ =	shalt  }
0x6d: {  	_ =	shalt  }
0x6e: {  	_ =	shalt  }
0x6f: {  	_ =	shalt  }
0x70: {  	_ =	shalt  }
0x71: {  	_ =	shalt  }
0x72: {  	_ =	shalt  }
0x73: {  	_ =	shalt  }
0x74: {  	_ =	shalt  }
0x75: {  	_ =	shalt  }
0x76: {  	_ =	shalt  }
0x77: {  	_ =	shalt  }
0x78: {  	_ =	shalt  }
0x79: {  	_ =	shalt  }
0x7a: {  	_ =	shalt  }
0x7b: {  	_ =	shalt  }
0x7c: {  	_ =	shalt  }
0x7d: {  	_ =	shalt  }
0x7e: {  	_ =	shalt  }
0x7f: {  	_ =	shalt  }
0x80: {  	_ =	shalt  }
0x81: {  	_ =	shalt  }
0x82: {  	_ =	shalt  }
0x83: {  	_ =	shalt  }
0x84: {  	_ =	shalt  }
0x85: {  	_ =	shalt  }
0x86: {  	_ =	shalt  }
0x87: {  	_ =	shalt  }
.Lfunc_end0:
.L_simem_size_0:
called_computation_lowered:
.L_overlay_start_0:
0x88: {  	s2 =	sld [smem:$0x3FD9]  }
0x89: {  	s3 =	sld [smem:$0x3FFE];
	_ =	sdelay $0x1  }
0x8a: {  	s1 =	srdreg.scid  }
0x8b: {  	s0 =	sand.u32 $0x1, s1  }
0x8c: {  	s17 =	sshll.u32 s0, $0xA;
	s2 =	sadd.s32 s3, s2  }
0x8d: {  	s2 =	sadd.s32 s2, s17  }
0x8e: {  	[smem:$0x3FA9] =	sst s2  }
0x8f: {  	_ = 	snop  }
0x90: {  	s2 =	sld [smem:$0x3FD0];
	(tm) =	ssettm $0x1  }
0x91: {  	s18 =	sld [smem:$0x3FFB];
	_ =	sdelay $0x3  }
0x92: {  	_ =	strace s18  }
0x93: {  	s3 =	sld [smem:$0x3FFC];
	_ =	sdelay $0x3  }
0x94: {  	_ =	strace s3  }
0x95: {  	s3 =	sld [smem:$0x3FFD];
	_ =	sdelay $0x3  }
0x96: {  	_ =	strace s3  }
0x97: {  	_ =	strace $0x8FFFFFFF  }
0x98: {  	s19 =	sld [smem:$0x3FDB];
	_ =	sdelay $0x1  }
0x99: {  	s4 =	simm.s32 $_scs_section_size  }
0x9a: {  	s5 =	simm.s32 $_size__tile_overlayer_lowered;
	s6 =	simm.s32 $_tile_overlayer_lowered  }
0x9b: {  	s22 =	simm.s32 $0x1BFF;
	s21 =	sshll.u32 s6, $0x1;
	s3 =	sadd.s32 s4, s19  }
0x9c: {  	s7 =	simm.s32 $0x0;
	s20 =	sshll.u32 s5, $0x1;
	s5 =	sadd.s32 s21, s3  }
0x9d: {  	[timem:s7], [sflag:s22] =	dma.local [hbm:s5], s20  }
0x9e: {  	_ =	swait.ge [sflag:s22], s20  }
0x9f: {  	s4 =	ssub.s32 $0x0, s20;
	[sflag:s22] =	ssyncset.done $0x0  }
0xa0: {  	[sflag:s22] =	ssyncadd.s32 s4;
	_ =	sdelay $0x1  }
0xa1: {  	s23 =	simm.s32 $0x1B8B  }
0xa2: {  	_ =	swait.ge [sflag:s23], $0x1  }
0xa3: {  	[sflag:s23] =	ssyncset.done $0x0  }
0xa4: {  	s25 =	simm.s32 $0x1B8E;
	s24 =	sld [smem:$0x3FFE];
	[sflag:s23] =	ssyncadd.s32 $0xFFFFFFFF  }
0xa5: {  	s26 =	simm.s32 $execute0_lowered;
	[smem:$0x3FD2] =	sst s25  }
0xa6: {  	s5 =	sshll.u32 s26, $0x1;
	_ =	strace $0x80000046;
	[dreg:$0x1] =	wrdreg $0xFFFFFFFF  }
0xa7: {  	s28 =	simm.s32 $_size_execute0_lowered;
	s3 =	sadd.s32 s3, s5;
	[dreg:$0x0] =	wrdreg $0x0  }
0xa8: {  	s5 =	sshll.u32 s28, $0x1;
	[dreg:$0x2] =	wrdreg s3  }
0xa9: {  	[dreg:$0x3] =	wrdreg s5  }
0xaa: {  	[dreg:$0x4] =	wrdreg $0xC0  }
0xab: {  	_ =	task [dreg:s7], $0x5FFFF  }
0xac: {  	[dreg:$0x1] =	wrdreg $0xFFFFFFFF  }
0xad: {  	[dreg:$0x0] =	wrdreg $0x60  }
0xae: {  	[dreg:$0x2] =	wrdreg s24  }
0xaf: {  	[dreg:$0x3] =	wrdreg s2  }
0xb0: {  	[dreg:$0x4] =	wrdreg $0x6E000  }
0xb1: {  	[dreg:$0x5] =	wrdreg $0x9  }
0xb2: {  	_ =	task.clear_ibuf [dreg:s7], $0x6FFFF;
	_ =	strace $0x90000046  }
0xb3: {  	s29 =	simm.s32 $0x9;
	_ =	strace $0x80000048  }
0xb4: {  	_ =	swait.ge [sflag:s29], $0x1  }
0xb5: {  	[sflag:s29] =	ssyncadd.s32 $0xFFFFFFFF  }
0xb6: {  	_ =	strace $0x90000048  }
0xb7: {  	_ =	sfence  }
0xb8: {  	s30 =	sld [smem:$0x0];
	_ =	sdelay $0x2  }
0xb9: {  	s31 =	sshll.u32 s1, $0xD;
	s1 =	sshrl.u32 s1, $0x2  }
0xba: {  	s3 =	sand.u32 $0x4000, s31;
	s1 =	sadd.s32 s1, s30  }
0xbb: {  	s0 =	sor.u32 s3, s0;
	s1 =	sshll.u32 s1, $0x11  }
0xbc: {  	s0 =	sor.u32 s1, s0  }
0xbd: {  	s0 =	sadd.s32 $0x8F2B, s0  }
0xbe: {  	[sflag:s0] =	ssyncadd.remote.s32 $0x1  }
0xbf: {  	_ =	sfence.sel $0xFFFF  }
0xc0: {  	[dreg:$0x0] =	wrdreg $0xFFFFFFFF;
	(pc) =	sbr.abs _section_cstart, $3  }
0xc1: {  	[dreg:$0x1] =	wrdreg $0xFFFFFFFF  }
0xc2: {  	_ =	task.clear_ibuf [dreg:s7], $0x2FFFF;
	_ =	strace $0x9FFFFFFF  }
0xc3: {  	(tm) =	ssettm $0x7FFFFFFF  }
tec
execute0_lowered:
.L_overlay_start_1:
0x0: {  	(tag) =	ssettag $0x1  }
0x1: {  	s0 =	rddreg [dreg:$0x0];
	s1 =	srdreg.scid  }
0x2: {  	s10 =	stileid.u32;
	s19 =	rddreg [dreg:$0x1]  }
0x3: {  	s2 =	rddreg [dreg:$0x2];
	s5 =	smul.u32 $0x16800, s10  }
0x4: {  	s3 =	simm.s32 $0x0;
	s28 =	simm.s32 $0x0;
	s7 =	smul.u32 $0x5A000, s10  }
0x5: {  	s1 =	sand.u32 $0x1, s1;
	[smem:$0x7FF] =	sst s3;
	s16 =	smul.u32 $0x4F00, s10  }
0x6: {  	s4 =	smul.u32 $0x168000, s1;
	_ =	strace $0x80000047;
	s18 =	ssub.s32 $0x2, s1  }
0x7: {  	s9 =	sshll.u32 s1, $0x4;
	s1 =	smul.u32 $0x4F000, s1;
	s8 =	sshrl.u32 s18, $0x1  }
0x8: {  	s7 =	sshrl.u32 s7, $0x2;
	s20 =	sor.u32 s10, s9;
	s4 =	sadd.s32 s5, s4  }
0x9: {  	s18 =	ssub.s32 s18, s8;
	s15 =	sadd.s32 s7, s2;
	s5 =	sadd.s32 s5, s2  }
0xa: {  	s13 =	smul.u32 $0x4F00, s20;
	s1 =	sadd.s32 s16, s1;
	s21 =	sadd.s32 $0x2400, s15  }
0xb: {  	s20 =	simm.s32 $0xB;
	s22 =	sadd.s32 $0x4800, s15;
	[dreg:$0x4] =	wrdreg s21  }
0xc: {  	s6 =	sshrl.u32 s4, $0x3;
	s23 =	sadd.s32 $0x6C00, s15;
	[dreg:$0x5] =	wrdreg s22  }
0xd: {  	s4 =	sadd.s32 $0x84400, s0;
	s24 =	sadd.s32 $0x9000, s15;
	[dreg:$0x6] =	wrdreg s23  }
0xe: {  	s25 =	sadd.s32 $0xB400, s15;
	s26 =	sadd.s32 $0xD800, s15;
	[dreg:$0x7] =	wrdreg s24  }
0xf: {  	s29 =	sadd.s32 $0xFC00, s15;
	s30 =	sadd.s32 $0x12000, s15;
	[dreg:$0x8] =	wrdreg s25  }
0x10: {  	s15 =	sadd.s32 $0x14400, s15;
	s1 =	sadd.s32 $0x100, s1;
	[dreg:$0x9] =	wrdreg s26  }
0x11: {  	s18 =	smax.u32 s18, $0x1;
	s0 =	sadd.s32 s6, s0;
	[dreg:$0xa] =	wrdreg s29  }
0x12: {  	s14 =	sshrl.u32 s13, $0x3;
	[dreg:$0xb] =	wrdreg s30;
	s31 =	sshrl.u32 s1, $0x3  }
0x13: {  	s22 =	simm.s32 $0x1;
	s23 =	simm.s32 $0x40;
	s24 =	simm.s32 $0xA  }
0x14: {  	s25 =	simm.s32 $0x8;
	s26 =	simm.s32 $0x9;
	s14 =	sadd.s32 s19, s14  }
0x15: {  	v0 =	vimm.f32 $0.0e+00;
	s17 =	sadd.s32 $0x4400, s0;
	s19 =	sadd.s32 s31, s19;
	s16 =	sadd.s32 $0x10, s14  }
.LBB2_1:
0x16: {  	s29 =	simm.s32 $0x320  }
0x17: {  	[tilespmem:s29+$0xFFFFFEE0] =	vst v0  }
0x18: {  	[tilespmem:s29+$0x110] =	vst v0  }
0x19: {  	[tilespmem:s29+$0x100] =	vst v0  }
0x1a: {  	[tilespmem:s29+$0xF0] =	vst v0  }
0x1b: {  	[tilespmem:s29+$0xE0] =	vst v0  }
0x1c: {  	[tilespmem:s29+$0xD0] =	vst v0  }
0x1d: {  	[tilespmem:s29+$0xC0] =	vst v0  }
0x1e: {  	[tilespmem:s29+$0xB0] =	vst v0  }
0x1f: {  	[tilespmem:s29+$0xA0] =	vst v0  }
0x20: {  	[tilespmem:s29+$0x90] =	vst v0  }
0x21: {  	[tilespmem:s29+$0x80] =	vst v0  }
0x22: {  	[tilespmem:s29+$0x70] =	vst v0  }
0x23: {  	[tilespmem:s29+$0x60] =	vst v0  }
0x24: {  	[tilespmem:s29+$0x50] =	vst v0  }
0x25: {  	[tilespmem:s29+$0x40] =	vst v0  }
0x26: {  	[tilespmem:s29+$0x30] =	vst v0  }
0x27: {  	[tilespmem:s29+$0x20] =	vst v0  }
0x28: {  	[tilespmem:s29+$0x10] =	vst v0  }
0x29: {  	[tilespmem:s29+$0x0] =	vst v0  }
0x2a: {  	[tilespmem:s29+$0xFFFFFFF0] =	vst v0  }
0x2b: {  	[tilespmem:s29+$0xFFFFFFE0] =	vst v0  }
0x2c: {  	[tilespmem:s29+$0xFFFFFFD0] =	vst v0  }
0x2d: {  	[tilespmem:s29+$0xFFFFFFC0] =	vst v0  }
0x2e: {  	[tilespmem:s29+$0xFFFFFFB0] =	vst v0  }
0x2f: {  	[tilespmem:s29+$0xFFFFFFA0] =	vst v0  }
0x30: {  	[tilespmem:s29+$0xFFFFFF90] =	vst v0  }
0x31: {  	[tilespmem:s29+$0xFFFFFF80] =	vst v0  }
0x32: {  	[tilespmem:s29+$0xFFFFFF70] =	vst v0  }
0x33: {  	[tilespmem:s29+$0xFFFFFF60] =	vst v0  }
0x34: {  	[tilespmem:s29+$0xFFFFFF50] =	vst v0  }
0x35: {  	[tilespmem:s29+$0xFFFFFF40] =	vst v0  }
0x36: {  	[tilespmem:s29+$0xFFFFFF30] =	vst v0  }
0x37: {  	[tilespmem:s29+$0xFFFFFF20] =	vst v0  }
0x38: {  	[tilespmem:s29+$0xFFFFFF10] =	vst v0  }
0x39: {  	s30 =	simm.s32 $0x0;
	[tilespmem:s29+$0xFFFFFF00] =	vst v0  }
.LBB2_2:
0x3a: {  	s30 =	sadd.s32 $0x4, s30;
	[tilespmem:s29+$0xFFFFFEF0] =	vst v0;
	s29 =	sadd.s32 $0x240, s29  }
0x3b: {  	[tilespmem:s29+$0xFFFFFEE0] =	vst v0;
	p0 =	slt.u32 s30, $0x3C  }
0x3c: {  	[tilespmem:s29+$0x110] =	vst v0  }
0x3d: {  	[tilespmem:s29+$0x100] =	vst v0  }
0x3e: {  	[tilespmem:s29+$0xF0] =	vst v0  }
0x3f: {  	[tilespmem:s29+$0xE0] =	vst v0  }
0x40: {  	[tilespmem:s29+$0xD0] =	vst v0  }
0x41: {  	[tilespmem:s29+$0xC0] =	vst v0  }
0x42: {  	[tilespmem:s29+$0xB0] =	vst v0  }
0x43: {  	[tilespmem:s29+$0xA0] =	vst v0  }
0x44: {  	[tilespmem:s29+$0x90] =	vst v0  }
0x45: {  	[tilespmem:s29+$0x80] =	vst v0  }
0x46: {  	[tilespmem:s29+$0x70] =	vst v0  }
0x47: {  	[tilespmem:s29+$0x60] =	vst v0  }
0x48: {  	[tilespmem:s29+$0x50] =	vst v0  }
0x49: {  	[tilespmem:s29+$0x40] =	vst v0  }
0x4a: {  	[tilespmem:s29+$0x30] =	vst v0  }
0x4b: {  	[tilespmem:s29+$0x20] =	vst v0  }
0x4c: {  	[tilespmem:s29+$0x10] =	vst v0  }
0x4d: {  	[tilespmem:s29+$0x0] =	vst v0  }
0x4e: {  	[tilespmem:s29+$0xFFFFFFF0] =	vst v0  }
0x4f: {  	[tilespmem:s29+$0xFFFFFFE0] =	vst v0  }
0x50: {  	[tilespmem:s29+$0xFFFFFFD0] =	vst v0  }
0x51: {  	[tilespmem:s29+$0xFFFFFFC0] =	vst v0  }
0x52: {  	[tilespmem:s29+$0xFFFFFFB0] =	vst v0  }
0x53: {  	[tilespmem:s29+$0xFFFFFFA0] =	vst v0  }
0x54: {  	[tilespmem:s29+$0xFFFFFF90] =	vst v0  }
0x55: {  	[tilespmem:s29+$0xFFFFFF80] =	vst v0  }
0x56: {  	[tilespmem:s29+$0xFFFFFF70] =	vst v0  }
0x57: {  	[tilespmem:s29+$0xFFFFFF60] =	vst v0  }
0x58: {  	[tilespmem:s29+$0xFFFFFF50] =	vst v0  }
.Ltmp0:
0x59: {  	[tilespmem:s29+$0xFFFFFF40] =	vst v0;
	(pc) =	sbr.rel @p0 .LBB2_2-.Ltmp0, $4  }
0x5a: {  	[tilespmem:s29+$0xFFFFFF30] =	vst v0  }
0x5b: {  	[tilespmem:s29+$0xFFFFFF20] =	vst v0  }
0x5c: {  	[tilespmem:s29+$0xFFFFFF10] =	vst v0  }
0x5d: {  	[tilespmem:s29+$0xFFFFFF00] =	vst v0  }
0x5e: {  	[tilespmem:s29+$0xFFFFFEF0] =	vst v0;
	s1 =	simm.s32 $0x200  }
0x5f: {  	[spmem:s5] =	stream.linear.scatter [tilespmem:s1], [sflag:$0xB], $0x2400, $0x38;
	[tilespmem:$0x1D600] =	vst v63  }
0x60: {  	_ =	swait.ge [sflag:s20], $0x2400  }
0x61: {  	[sflag:s20] =	ssyncset.done $0x0  }
0x62: {  	s0 =	rddreg [dreg:$0x4];
	[sflag:s20] =	ssyncadd.s32 $0xFFFFDC00  }
0x63: {  	[spmem:s0] =	stream.linear.scatter [tilespmem:s1], [sflag:$0xB], $0x2400, $0x38;
	[tilespmem:$0x1D600] =	vst v63  }
0x64: {  	_ =	swait.ge [sflag:s20], $0x2400  }
0x65: {  	[sflag:s20] =	ssyncset.done $0x0  }
0x66: {  	s12 =	rddreg [dreg:$0x5];
	[sflag:s20] =	ssyncadd.s32 $0xFFFFDC00  }
0x67: {  	[spmem:s12] =	stream.linear.scatter [tilespmem:s1], [sflag:$0xB], $0x2400, $0x38;
	[tilespmem:$0x1D600] =	vst v63  }
0x68: {  	_ =	swait.ge [sflag:s20], $0x2400  }
0x69: {  	[sflag:s20] =	ssyncset.done $0x0  }
0x6a: {  	s13 =	rddreg [dreg:$0x6];
	[sflag:s20] =	ssyncadd.s32 $0xFFFFDC00  }
0x6b: {  	[spmem:s13] =	stream.linear.scatter [tilespmem:s1], [sflag:$0xB], $0x2400, $0x38;
	[tilespmem:$0x1D600] =	vst v63  }
0x6c: {  	_ =	swait.ge [sflag:s20], $0x2400  }
0x6d: {  	[sflag:s20] =	ssyncset.done $0x0  }
0x6e: {  	s21 =	rddreg [dreg:$0x7];
	[sflag:s20] =	ssyncadd.s32 $0xFFFFDC00  }
0x6f: {  	[spmem:s21] =	stream.linear.scatter [tilespmem:s1], [sflag:$0xB], $0x2400, $0x38;
	[tilespmem:$0x1D600] =	vst v63  }
0x70: {  	_ =	swait.ge [sflag:s20], $0x2400  }
0x71: {  	[sflag:s20] =	ssyncset.done $0x0  }
0x72: {  	s6 =	rddreg [dreg:$0x8];
	[sflag:s20] =	ssyncadd.s32 $0xFFFFDC00  }
0x73: {  	[spmem:s6] =	stream.linear.scatter [tilespmem:s1], [sflag:$0xB], $0x2400, $0x38;
	[tilespmem:$0x1D600] =	vst v63  }
0x74: {  	_ =	swait.ge [sflag:s20], $0x2400  }
0x75: {  	[sflag:s20] =	ssyncset.done $0x0  }
0x76: {  	s7 =	rddreg [dreg:$0x9];
	[sflag:s20] =	ssyncadd.s32 $0xFFFFDC00  }
0x77: {  	[spmem:s7] =	stream.linear.scatter [tilespmem:s1], [sflag:$0xB], $0x2400, $0x38;
	[tilespmem:$0x1D600] =	vst v63  }
0x78: {  	_ =	swait.ge [sflag:s20], $0x2400  }
0x79: {  	[sflag:s20] =	ssyncset.done $0x0  }
0x7a: {  	s8 =	rddreg [dreg:$0xa];
	[sflag:s20] =	ssyncadd.s32 $0xFFFFDC00  }
0x7b: {  	[spmem:s8] =	stream.linear.scatter [tilespmem:s1], [sflag:$0xB], $0x2400, $0x38;
	[tilespmem:$0x1D600] =	vst v63  }
0x7c: {  	_ =	swait.ge [sflag:s20], $0x2400  }
0x7d: {  	[sflag:s20] =	ssyncset.done $0x0  }
0x7e: {  	s10 =	simm.s32 $0x80;
	s9 =	rddreg [dreg:$0xb];
	[sflag:s20] =	ssyncadd.s32 $0xFFFFDC00  }
0x7f: {  	[spmem:s9] =	stream.linear.scatter [tilespmem:s1], [sflag:$0xB], $0x2400, $0x38;
	[tilespmem:$0x1D600] =	vst v63  }
0x80: {  	p0 =	por $0x0, $0x0;
	s29 =	simm.s32 $0x1;
	_ =	swait.ge [sflag:s20], $0x2400  }
0x81: {  	s31 =	simm.s32 $0x0;
	p1 =	por @!p0 $0x1, $0x1;
	[sflag:s20] =	ssyncset.done $0x0  }
0x82: {  	s30 =	sand.u32 @!p0 $0x3, s29;
	s29 =	sand.u32 @!p0 $0xFF, s29;
	[sflag:s20] =	ssyncadd.s32 $0xFFFFDC00  }
0x83: {  	[spmem:s15] =	stream.linear.scatter [tilespmem:s1], [sflag:$0xB], $0x2400, $0x38;
	[tilespmem:$0x1D600] =	vst v63  }
0x84: {  	s31 =	smul.u32 $0xAB, s31;
	p1 =	por p1, p0;
	_ =	swait.ge [sflag:s20], $0x2400  }
0x85: {  	s29 =	smul.u32 @!p0 $0xAB, s29;
	s0 =	simm.s32 @!p1 $0xFFFFFFFE;
	[sflag:s20] =	ssyncset.done $0x0  }
0x86: {  	p2 =	por @!p0 $0x0, $0x0;
	s0 =	sand.u32 @!p1 $0xFF, s0;
	[sflag:s20] =	ssyncadd.s32 $0xFFFFDC00  }
0x87: {  	s29 =	sshrl.u32 @!p0 s29, $0x9;
	s0 =	smul.u32 @!p1 $0xAB, s0;
	[bflag:$0x0] =	sbarrier.arrive $0xFFFF  }
0x88: {  	[tilespmem:s3], [sflag:$0x1] =	stream.linear.gather [hbm4b:s14+s3], $0x80, $0x38;
	[tilespmem:$0x1D600] =	vst v63  }
0x89: {  	s30 =	sadd.s32 @!p0 $0x1, s30;
	s29 =	smul.u32 @!p0 $0x3, s29;
	s0 =	sshrl.u32 @!p1 s0, $0x9  }
0x8a: {  	[tilespmem:s10], [sflag:$0x2] =	stream.linear.gather [hbm4b:s16+s3], $0x80, $0x38;
	[tilespmem:$0x1D600] =	vst v63  }
0x8b: {  	s29 =	ssub.s32 @!p0 $0x1, s29;
	s0 =	smul.u32 @!p1 $0x3, s0;
	_ =	swait.ge [sflag:s22], $0x80  }
0x8c: {  	p2 =	por p2, p0;
	s29 =	sand.u32 @!p0 $0xFF, s29;
	[sflag:s22] =	ssyncset.done $0x0  }
0x8d: {  	s12 =	simm.s32 $0x0;
	s0 =	ssub.s32 @!p1 $0xFFFFFFFE, s0;
	[sflag:s22] =	ssyncadd.s32 $0xFFFFFF80  }
0x8e: {  	[tilespmem:s1], [sflag:$0x5] =	stream.indirect.gather [hbm4b:s4+s23], $0x90, s3, s23, $0xb8;
	[tilespmem:$0x1D600] =	vst v63  }
0x8f: {  	s0 =	sor.u32 @!p1 $0x8, s0;
	s21 =	simm.s32 $0x2;
	_ =	swait.ge @!p0 [sflag:s30], $0x80  }
0x90: {  	s0 =	sand.u32 @!p1 $0xFF, s0;
	s21 =	sand.u32 @!p2 $0x3, s21;
	[sflag:s30] =	ssyncset.done @!p0 $0x0  }
0x91: {  	s1 =	sand.u32 @!p0 $0x600, s1;
	[sflag:s30] =	ssyncadd.s32 @!p0 $0xFFFFFF80;
	s30 =	sshrl.u32 s31, $0x9  }
0x92: {  	s31 =	smul.u32 @!p0 $0x9000, s29;
	s30 =	sand.u32 $0x7F, s30;
	_ =	swait.ge @!p1 [sflag:s0], $0x2400  }
0x93: {  	s1 =	sshrl.u32 @!p0 s1, $0x2;
	s30 =	smul.u32 $0x3, s30;
	[sflag:s0] =	ssyncset.done @!p1 $0x0  }
0x94: {  	s29 =	sadd.s32 @!p0 $0x5, s29;
	s31 =	sshrl.u32 @!p0 s31, $0x2;
	[sflag:s0] =	ssyncadd.s32 @!p1 $0xFFFFDC00  }
0x95: {  	s0 =	simm.s32 @!p0 $0x40;
	s31 =	sor.u32 @!p0 $0x200, s31;
	s30 =	ssub.s32 $0x0, s30  }
0x96: {  	[tilespmem:s31], [sflag:s29] =	stream.indirect.gather @!p0 [hbm4b:s4+s0], $0x90, s1, s0, $0xb8;
	[tilespmem:$0x1D600] =	vst v63  }
0x97: {  	s1 =	sadd.s32 @!p2 $0x1, s21;
	s29 =	simm.s32 @!p2 $0x0;
	s11 =	sand.u32 $0xFF, s30  }
0x98: {  	s21 =	sshll.u32 @!p2 s21, $0x7;
	s30 =	simm.s32 $0x3;
	s31 =	sadd.s32 $0x5, s11  }
0x99: {  	[tilespmem:s21], [sflag:s1] =	stream.linear.gather @!p2 [hbm4b:s19+s29], $0x80, $0x38;
	[tilespmem:$0x1D600] =	vst v63  }
0x9a: {  	s29 =	sadd.s32 $0x10, s19;
	s13 =	smul.u32 $0x9000, s11;
	s1 =	sand.u32 $0x600, s12  }
0x9b: {  	_ =	swait.ge [sflag:s31], $0x2400;
	s6 =	sshrl.u32 s1, $0x2;
	s1 =	sor.u32 $0x8, s11  }
0x9c: {  	[sflag:s31] =	ssyncset.done $0x0;
	s21 =	sshrl.u32 s13, $0x2;
	s0 =	sor.u32 $0x40, s6  }
0x9d: {  	[sflag:s31] =	ssyncadd.s32 $0xFFFFDC00;
	s31 =	simm.s32 $0x400;
	s21 =	sor.u32 $0x200, s21  }
.LBB2_4:
0x9e: {  	[spmem:s2] =	stream.indirect.scatter.add.f32 [tilespmem:s21], [sflag:s1], $0x90, s0, s23, $0xb8;
	[tilespmem:$0x1D600] =	vst v63  }
0x9f: {  	s1 =	smov.u32 s29;
	s21 =	smov.u32 s30;
	s0 =	smov.u32 s31  }
0xa0: {  	s29 =	sadd.s32 $0x10, s29;
	s30 =	sadd.s32 $0x1, s30;
	s31 =	sadd.s32 $0x200, s31  }
0xa1: {  	s6 =	sadd.s32 $0xFFFFFFFE, s21;
	s7 =	sadd.s32 $0xFFFFFFFF, s21;
	p0 =	seq.s32 s21, $0x9F  }
0xa2: {  	s8 =	sand.u32 @!p0 $0x3, s7;
	p1 =	slt.u32 @!p0 s6, $0x2;
	s9 =	sand.u32 @!p0 $0xFF, s7  }
0xa3: {  	s8 =	sadd.s32 @!p0 $0x1, s8;
	p1 =	por p1, p0;
	s9 =	smul.u32 @!p0 $0xAB, s9  }
0xa4: {  	s11 =	smul.u32 $0xAB, s6;
	s10 =	sadd.s32 @!p1 $0xFFFFFFFE, s6;
	_ =	swait.ge @!p0 [sflag:s8], $0x80  }
0xa5: {  	s12 =	sand.u32 @!p1 $0xFF, s10;
	s9 =	sshrl.u32 @!p0 s9, $0x9;
	[sflag:s8] =	ssyncset.done @!p0 $0x0  }
0xa6: {  	s11 =	sshrl.u32 s11, $0x9;
	[sflag:s8] =	ssyncadd.s32 @!p0 $0xFFFFFF80;
	s8 =	smul.u32 @!p1 $0xAB, s12  }
0xa7: {  	s11 =	sand.u32 $0x7F, s11;
	s9 =	smul.u32 @!p0 $0x3, s9;
	s12 =	sand.u32 @!p0 $0x600, s0  }
0xa8: {  	p2 =	sgt.u32 @!p0 s6, $0x9B;
	s11 =	smul.u32 $0x3, s11;
	s8 =	sshrl.u32 @!p1 s8, $0x9  }
0xa9: {  	s7 =	ssub.s32 @!p0 s7, s9;
	s9 =	sshrl.u32 @!p0 s12, $0x2;
	s8 =	smul.u32 @!p1 $0x3, s8  }
0xaa: {  	s0 =	sadd.s32 $0xFFFFFE00, s0;
	s6 =	ssub.s32 s6, s11;
	s7 =	sand.u32 @!p0 $0xFF, s7  }
0xab: {  	s8 =	ssub.s32 @!p1 s10, s8;
	s10 =	smul.u32 @!p0 $0x9000, s7;
	s7 =	sadd.s32 @!p0 $0x5, s7  }
0xac: {  	s11 =	simm.s32 @!p0 $0x40;
	s6 =	sand.u32 $0xFF, s6;
	s8 =	sor.u32 @!p1 $0x8, s8  }
0xad: {  	s12 =	smul.u32 $0x9000, s6;
	s8 =	sand.u32 @!p1 $0xFF, s8;
	s10 =	sshrl.u32 @!p0 s10, $0x2  }
0xae: {  	p2 =	por p2, p0;
	_ =	swait.ge @!p1 [sflag:s8], $0x2400;
	s10 =	sor.u32 @!p0 $0x200, s10  }
0xaf: {  	s21 =	sand.u32 @!p2 $0x3, s21;
	s12 =	sshrl.u32 s12, $0x2;
	[sflag:s8] =	ssyncset.done @!p1 $0x0  }
0xb0: {  	s13 =	simm.s32 @!p2 $0x0;
	[sflag:s8] =	ssyncadd.s32 @!p1 $0xFFFFDC00;
	s8 =	sadd.s32 @!p2 $0x1, s21  }
0xb1: {  	[tilespmem:s10], [sflag:s7] =	stream.indirect.gather @!p0 [hbm4b:s4+s11], $0x90, s9, s11, $0xb8;
	[tilespmem:$0x1D600] =	vst v63  }
0xb2: {  	p0 =	sne.s32 s30, $0xA0  }
.Ltmp1:
0xb3: {  	s7 =	sshll.u32 @!p2 s21, $0x7;
	s9 =	sadd.s32 $0x5, s6;
	(pc) =	sbr.rel @p0 .LBB2_4-.Ltmp1, $4  }
0xb4: {  	[tilespmem:s7], [sflag:s8] =	stream.linear.gather @!p2 [hbm4b:s1+s13], $0x80, $0x38;
	[tilespmem:$0x1D600] =	vst v63  }
0xb5: {  	s0 =	sand.u32 $0x600, s0;
	_ =	swait.ge [sflag:s9], $0x2400  }
0xb6: {  	s0 =	sshrl.u32 s0, $0x2;
	s1 =	sor.u32 $0x8, s6;
	[sflag:s9] =	ssyncset.done $0x0  }
0xb7: {  	s0 =	sor.u32 $0x40, s0;
	s21 =	sor.u32 $0x200, s12;
	[sflag:s9] =	ssyncadd.s32 $0xFFFFDC00  }
0xb8: {  	[spmem:s2] =	stream.indirect.scatter.add.f32 [tilespmem:s21], [sflag:s1], $0x90, s0, s23, $0xb8;
	[tilespmem:$0x1D600] =	vst v63  }
0xb9: {  	_ =	swait.ge [sflag:s24], $0x2400  }
0xba: {  	[sflag:s24] =	ssyncset.done $0x0  }
0xbb: {  	[sflag:s24] =	ssyncadd.s32 $0xFFFFDC00  }
0xbc: {  	_ =	swait.ge [sflag:s25], $0x2400  }
0xbd: {  	[sflag:s25] =	ssyncset.done $0x0  }
0xbe: {  	[sflag:s25] =	ssyncadd.s32 $0xFFFFDC00  }
0xbf: {  	s30 =	stileid.u32;
	_ =	swait.ge [sflag:s26], $0x2400  }
0xc0: {  	s31 =	sshrl.u32 s5, $0x3;
	s28 =	sadd.s32 $0x1, s28;
	[sflag:s26] =	ssyncset.done $0x0  }
0xc1: {  	s0 =	sshll.u32 s30, $0x6;
	p0 =	sne.s32 s28, s18;
	[sflag:s26] =	ssyncadd.s32 $0xFFFFDC00  }
.Ltmp2:
0xc2: {  	s0 =	sor.u32 $0x1C0B, s0;
	[bflag:$0x0] =	sbarrier.arrive $0xFFFF;
	(pc) =	sbr.rel @p0 .LBB2_1-.Ltmp2, $4  }
0xc3: {  	[hbm:s17], [sflag:s0] =	dma.local [spmem:s31], $0x2D00  }
0xc4: {  	_ =	swait.ge [sflag:s20], $0x2D00  }
0xc5: {  	[sflag:s20] =	ssyncset.done $0x0  }
0xc6: {  	[sflag:s20] =	ssyncadd.s32 $0xFFFFD300  }
0xc7: {  	_ =	sfence.sel $0x180000  }
0xc8: {  	[bflag:$0x0] =	sbarrier.arrive $0xFFFF  }
0xc9: {  	_ =	strace $0x90000047  }
0xca: {  	s0 =	stileid.u32;
	[bflag:$0x2] =	sbarrier.arrive $0xFFFF  }
0xcb: {  	p0 =	sne.s32 s0, $0x0;
	s0 =	rddreg [dreg:$0x3]  }
0xcc: {  	s0 =	sadd.s32 @!p0 $0x100000, s0  }
0xcd: {  	[sflag:s0] =	ssyncadd.tile.s32 @!p0 $0x1;
	_ =	shalt  }
.Lfunc_end2:
_tile_overlayer_lowered:
.L_overlay_start_2:
0xce: {  	(tag) =	ssettag $0x2  }
0xcf: {  	s0 =	rddreg [dreg:$0x0];
	s2 =	stileid.u32  }
0xd0: {  	s1 =	rddreg [dreg:$0x1];
	p0 =	sne.s32 s2, $0x0  }
0xd1: {  	s3 =	rddreg [dreg:$0x2];
	[bflag:$0x3] =	sbarrier.arrive $0xFFFF;
	s2 =	simm.s32 @!p0 $0x1C0B  }
0xd2: {  	[timem:s3], [sflag:s2] =	dma.local @!p0 [hbm:s0], s1  }
0xd3: {  	s0 =	simm.s32 @!p0 $0xB  }
0xd4: {  	_ =	swait.ge @!p0 [sflag:s0], s1  }
0xd5: {  	s1 =	ssub.s32 @!p0 $0x0, s1;
	[sflag:s0] =	ssyncset.done @!p0 $0x0  }
0xd6: {  	[sflag:s0] =	ssyncadd.s32 @!p0 s1  }
0xd7: {  	[bflag:$0x3] =	sbarrier.arrive $0xFFFF  }
0xd8: {  	_ =	shalt  }

</sc_bundles>
